<compile_context>
chip_gen: v7x
topology: tpu7x:2x2x1
jax: 0.10.2.dev20260603
libtpu: 0.0.44.dev20260713+nightly
codegen_flags: <defaults>
</compile_context>

<pallas_src>
import functools

import jax
import jax.numpy as jnp
from jax import lax
from jax.experimental import pallas as pl
from jax.experimental.pallas import tpu as pltpu
from jax.experimental.pallas import tpu_sc as plsc

_NUM_GROUPS = 16
_FEAT = 256
_FH = 64
_FW = 64
_HW = _FH * _FW
_ROWS = _NUM_GROUPS * _HW

_NC = 2
_NS = 16
_NW = _NC * _NS
_CHUNK = 128


def _gather(table, grp, xs, ys, n):
    n_chunks = -(-n // _CHUNK)
    last_chunk = n_chunks - 1
    last_base = n - _CHUNK
    chunks_per_w = -(-n_chunks // _NW)
    assert chunks_per_w % 2 == 1 and chunks_per_w >= 5
    mesh = plsc.VectorSubcoreMesh(core_axis_name="c", subcore_axis_name="s")

    @functools.partial(
        pl.kernel,
        mesh=mesh,
        compiler_params=pltpu.CompilerParams(needs_layout_passes=False),
        out_type=jax.ShapeDtypeStruct((n, _FEAT), jnp.float32),
        scratch_types=(
            [pltpu.VMEM((_CHUNK,), jnp.int32) for _ in range(2)]
            + [pltpu.VMEM((_CHUNK,), jnp.int32) for _ in range(2)]
            + [pltpu.VMEM((_CHUNK,), jnp.int32) for _ in range(2)]
            + [pltpu.VMEM((_CHUNK,), jnp.int32) for _ in range(2)]
            + [pltpu.VMEM((_CHUNK, _FEAT), jnp.float32) for _ in range(2)]
            + [pltpu.SemaphoreType.DMA for _ in range(6)]
        ),
    )
    def k(table_hbm, grp_hbm, xs_hbm, ys_hbm, out_hbm, *scratch):
        grp_b = scratch[0:2]
        xs_b = scratch[2:4]
        ys_b = scratch[4:6]
        idx_b = scratch[6:8]
        rows_b = scratch[8:10]
        ssem_b = scratch[10:12]
        gsem_b = scratch[12:14]
        wsem_b = scratch[14:16]

        wid = lax.axis_index("s") * _NC + lax.axis_index("c")

        def chunk_base(j):
            t = jnp.minimum(wid + j * _NW, last_chunk)
            return jnp.minimum(t * _CHUNK, last_base)

        def start_slabs(j, b):
            base = chunk_base(j)
            pltpu.async_copy(grp_hbm.at[pl.ds(base, _CHUNK)], grp_b[b], ssem_b[b])
            pltpu.async_copy(xs_hbm.at[pl.ds(base, _CHUNK)], xs_b[b], ssem_b[b])
            pltpu.async_copy(ys_hbm.at[pl.ds(base, _CHUNK)], ys_b[b], ssem_b[b])

        def wait_slabs(b):
            for ref in (grp_b[b], xs_b[b], ys_b[b]):
                pltpu.make_async_copy(
                    grp_hbm.at[pl.ds(0, _CHUNK)], ref, ssem_b[b]).wait()

        def compute_idx(b):
            for i in range(_CHUNK // 16):
                sl = pl.ds(i * 16, 16)
                g = grp_b[b][sl]
                x = xs_b[b][sl]
                y = ys_b[b][sl]
                idx_b[b][sl] = g * _HW + y * _FW + x

        def wait_write(b):
            pltpu.make_async_copy(
                rows_b[b], out_hbm.at[pl.ds(0, _CHUNK)], wsem_b[b]).wait()

        def wait_gather(b):
            pltpu.make_async_copy(
                table_hbm.at[idx_b[b]], rows_b[b], gsem_b[b]).wait()

        def chunk(j, b, ring_warm, have_prev):
            wait_slabs(b)
            compute_idx(b)
            start_slabs(j + 2, b)
            if ring_warm:
                wait_write(b)
            pltpu.async_copy(table_hbm.at[idx_b[b]], rows_b[b], gsem_b[b])
            if have_prev:
                pb = 1 - b
                wait_gather(pb)
                pltpu.async_copy(
                    rows_b[pb], out_hbm.at[pl.ds(chunk_base(j - 1), _CHUNK)],
                    wsem_b[pb])

        start_slabs(jnp.int32(0), 0)
        start_slabs(jnp.int32(1), 1)
        chunk(jnp.int32(0), 0, False, False)
        chunk(jnp.int32(1), 1, False, True)

        def body(jj, carry):
            j = jj * 2
            chunk(j, 0, True, True)
            chunk(j + 1, 1, True, True)
            return carry

        lax.fori_loop(1, chunks_per_w // 2, body, 0)

        chunk(jnp.int32(chunks_per_w - 1), 0, True, True)
        lb = 0
        wait_gather(lb)
        pltpu.async_copy(
            rows_b[lb],
            out_hbm.at[pl.ds(chunk_base(jnp.int32(chunks_per_w - 1)), _CHUNK)],
            wsem_b[lb])
        for b in range(2):
            wait_write(b)
            wait_slabs(b)

    return k(table, grp, xs, ys)


def kernel(feat_map, grp_ids, grid_ids):
    n = grp_ids.shape[0]
    table = jnp.transpose(feat_map, (0, 2, 3, 1)).reshape(_ROWS, _FEAT)
    grp = grp_ids.astype(jnp.int32)
    xs = grid_ids[:, 0].astype(jnp.int32)
    ys = grid_ids[:, 1].astype(jnp.int32)
    return _gather(table, grp, xs, ys, n)

# --- scband reference (transcript-rebuilt; emitter-appended) ---
"""Pipeline reference for scband-grid-select2d-21938692948155 (READ-ONLY COPY).

The authoritative reference and input builder live on the scoring server;
editing this copy changes nothing except your own understanding.
"""

import jax, jax.numpy as jnp
import numpy as np


def setup_inputs(seed: int = 0) -> dict:
    key = jax.random.key(seed)
    k1, k2, k3 = jax.random.split(key, 3)
    num_groups, feat_size, fH, fW = 16, 256, 64, 64
    num_selects = 200000
    feat_map = jax.random.normal(k1, (num_groups, feat_size, fH, fW), dtype=jnp.float32)
    grp_ids = jax.random.randint(k2, (num_selects,), 0, num_groups, dtype=jnp.int64)
    grid_ids = jax.random.randint(k3, (num_selects, 2), 0, fH, dtype=jnp.int64)
    return {"feat_map": feat_map, "grp_ids": grp_ids, "grid_ids": grid_ids}


def reference(feat_map, grp_ids, grid_ids):
    # Faithful translation of GridSelect2d.forward:
    # out_feats = feat_map[grp_ids, :, grid_ids[:, 1], grid_ids[:, 0]]
    # Advanced indexing on dims 0, 2, 3 with a slice on dim 1 yields
    # shape [num_selects, feat_size] (advanced-index dims moved to front).
    out_feats = feat_map[grp_ids, :, grid_ids[:, 1], grid_ids[:, 0]]
    return out_feats

if __name__ == "__main__":
    import jax
    _d = setup_inputs()
    print(jax.jit(kernel)(*tuple(_d.values())))

</pallas_src>

<mosaic_0001>
#map = affine_map<(d0, d1) -> (0, 0)>
#map1 = affine_map<(d0, d1) -> (0)>
module attributes {stable_mosaic.version = 14 : i64} {
  func.func @k(%arg0: i32, %arg1: i32, %arg2: memref<65536x256xf32, #tpu.memory_space<hbm>>, %arg3: memref<200000xi32, #tpu.memory_space<hbm>>, %arg4: memref<200000xi32, #tpu.memory_space<hbm>>, %arg5: memref<200000xi32, #tpu.memory_space<hbm>>, %arg6: memref<200000x256xf32, #tpu.memory_space<hbm>>, %arg7: memref<128xi32, #tpu.memory_space<vmem>>, %arg8: memref<128xi32, #tpu.memory_space<vmem>>, %arg9: memref<128xi32, #tpu.memory_space<vmem>>, %arg10: memref<128xi32, #tpu.memory_space<vmem>>, %arg11: memref<128xi32, #tpu.memory_space<vmem>>, %arg12: memref<128xi32, #tpu.memory_space<vmem>>, %arg13: memref<128xi32, #tpu.memory_space<vmem>>, %arg14: memref<128xi32, #tpu.memory_space<vmem>>, %arg15: memref<128x256xf32, #tpu.memory_space<vmem>>, %arg16: memref<128x256xf32, #tpu.memory_space<vmem>>, %arg17: memref<!tpu.dma_semaphore, #tpu.memory_space<semaphore_mem>>, %arg18: memref<!tpu.dma_semaphore, #tpu.memory_space<semaphore_mem>>, %arg19: memref<!tpu.dma_semaphore, #tpu.memory_space<semaphore_mem>>, %arg20: memref<!tpu.dma_semaphore, #tpu.memory_space<semaphore_mem>>, %arg21: memref<!tpu.dma_semaphore, #tpu.memory_space<semaphore_mem>>, %arg22: memref<!tpu.dma_semaphore, #tpu.memory_space<semaphore_mem>>) attributes {dimension_semantics = [#tpu.dimension_semantics<core_parallel>, #tpu.dimension_semantics<subcore_parallel>], iteration_bounds = array<i64: 2, 16>, scalar_prefetch = 0 : i64, scratch_operands = 16 : i64, tpu.core_type = #tpu.core_type<sc_vector_subcore>, window_params = [{transform_indices = #map}, {transform_indices = #map1}, {transform_indices = #map1}, {transform_indices = #map1}, {transform_indices = #map}]} {
    %mul3A = arith.constant 2 : i32
    %mul3A_0 = arith.muli %arg1, %mul3A : i32
    %add3A = arith.addi %mul3A_0, %arg0 : i32
    %mul3A_1 = arith.constant 0 : i32
    %mul3A_2 = arith.constant 32 : i32
    %mul3A_3 = arith.muli %mul3A_1, %mul3A_2 : i32
    %add3A_4 = arith.addi %add3A, %mul3A_3 : i32
    %min3A = arith.constant 1562 : i32
    %min3A_5 = arith.minsi %add3A_4, %min3A : i32
    %mul3A_6 = arith.constant 128 : i32
    %mul3A_7 = arith.muli %min3A_5, %mul3A_6 : i32
    %min3A_8 = arith.constant 199872 : i32
    %min3A_9 = arith.minsi %mul3A_7, %min3A_8 : i32
    %dma_start3A = tpu.memref_slice %arg3[%min3A_9] : memref<200000xi32, #tpu.memory_space<hbm>> -> memref<128xi32, #tpu.memory_space<hbm>>
    %dma_start3A_10 = tpu.memref_slice %arg3[%min3A_9] : memref<200000xi32, #tpu.memory_space<hbm>> -> memref<128xi32, #tpu.memory_space<hbm>>
    tpu.enqueue_dma source(%dma_start3A_10 : memref<128xi32, #tpu.memory_space<hbm>>) target(%arg7 : memref<128xi32, #tpu.memory_space<vmem>>) target_semaphore(%arg17 : memref<!tpu.dma_semaphore, #tpu.memory_space<semaphore_mem>>)
    %dma_start3A_11 = tpu.memref_slice %arg4[%min3A_9] : memref<200000xi32, #tpu.memory_space<hbm>> -> memref<128xi32, #tpu.memory_space<hbm>>
    %dma_start3A_12 = tpu.memref_slice %arg4[%min3A_9] : memref<200000xi32, #tpu.memory_space<hbm>> -> memref<128xi32, #tpu.memory_space<hbm>>
    tpu.enqueue_dma source(%dma_start3A_12 : memref<128xi32, #tpu.memory_space<hbm>>) target(%arg9 : memref<128xi32, #tpu.memory_space<vmem>>) target_semaphore(%arg17 : memref<!tpu.dma_semaphore, #tpu.memory_space<semaphore_mem>>)
    %dma_start3A_13 = tpu.memref_slice %arg5[%min3A_9] : memref<200000xi32, #tpu.memory_space<hbm>> -> memref<128xi32, #tpu.memory_space<hbm>>
    %dma_start3A_14 = tpu.memref_slice %arg5[%min3A_9] : memref<200000xi32, #tpu.memory_space<hbm>> -> memref<128xi32, #tpu.memory_space<hbm>>
    tpu.enqueue_dma source(%dma_start3A_14 : memref<128xi32, #tpu.memory_space<hbm>>) target(%arg11 : memref<128xi32, #tpu.memory_space<vmem>>) target_semaphore(%arg17 : memref<!tpu.dma_semaphore, #tpu.memory_space<semaphore_mem>>)
    %mul3A_15 = arith.constant 1 : i32
    %mul3A_16 = arith.constant 32 : i32
    %mul3A_17 = arith.muli %mul3A_15, %mul3A_16 : i32
    %add3A_18 = arith.addi %add3A, %mul3A_17 : i32
    %min3A_19 = arith.constant 1562 : i32
    %min3A_20 = arith.minsi %add3A_18, %min3A_19 : i32
    %mul3A_21 = arith.constant 128 : i32
    %mul3A_22 = arith.muli %min3A_20, %mul3A_21 : i32
    %min3A_23 = arith.constant 199872 : i32
    %min3A_24 = arith.minsi %mul3A_22, %min3A_23 : i32
    %dma_start3A_25 = tpu.memref_slice %arg3[%min3A_24] : memref<200000xi32, #tpu.memory_space<hbm>> -> memref<128xi32, #tpu.memory_space<hbm>>
    %dma_start3A_26 = tpu.memref_slice %arg3[%min3A_24] : memref<200000xi32, #tpu.memory_space<hbm>> -> memref<128xi32, #tpu.memory_space<hbm>>
    tpu.enqueue_dma source(%dma_start3A_26 : memref<128xi32, #tpu.memory_space<hbm>>) target(%arg8 : memref<128xi32, #tpu.memory_space<vmem>>) target_semaphore(%arg18 : memref<!tpu.dma_semaphore, #tpu.memory_space<semaphore_mem>>)
    %dma_start3A_27 = tpu.memref_slice %arg4[%min3A_24] : memref<200000xi32, #tpu.memory_space<hbm>> -> memref<128xi32, #tpu.memory_space<hbm>>
    %dma_start3A_28 = tpu.memref_slice %arg4[%min3A_24] : memref<200000xi32, #tpu.memory_space<hbm>> -> memref<128xi32, #tpu.memory_space<hbm>>
    tpu.enqueue_dma source(%dma_start3A_28 : memref<128xi32, #tpu.memory_space<hbm>>) target(%arg10 : memref<128xi32, #tpu.memory_space<vmem>>) target_semaphore(%arg18 : memref<!tpu.dma_semaphore, #tpu.memory_space<semaphore_mem>>)
    %dma_start3A_29 = tpu.memref_slice %arg5[%min3A_24] : memref<200000xi32, #tpu.memory_space<hbm>> -> memref<128xi32, #tpu.memory_space<hbm>>
    %dma_start3A_30 = tpu.memref_slice %arg5[%min3A_24] : memref<200000xi32, #tpu.memory_space<hbm>> -> memref<128xi32, #tpu.memory_space<hbm>>
    tpu.enqueue_dma source(%dma_start3A_30 : memref<128xi32, #tpu.memory_space<hbm>>) target(%arg12 : memref<128xi32, #tpu.memory_space<vmem>>) target_semaphore(%arg18 : memref<!tpu.dma_semaphore, #tpu.memory_space<semaphore_mem>>)
    %dma_wait3A = arith.constant 0 : i32
    %dma_wait3A_31 = tpu.memref_slice %arg3[%dma_wait3A] : memref<200000xi32, #tpu.memory_space<hbm>> -> memref<128xi32, #tpu.memory_space<hbm>>
    %dma_wait3A_32 = arith.constant 0 : i32
    %dma_wait3A_33 = tpu.memref_slice %arg3[%dma_wait3A_32] : memref<200000xi32, #tpu.memory_space<hbm>> -> memref<128xi32, #tpu.memory_space<hbm>>
    tpu.wait_dma2 semaphore(%arg17 : memref<!tpu.dma_semaphore, #tpu.memory_space<semaphore_mem>>) src(%dma_wait3A_33 : memref<128xi32, #tpu.memory_space<hbm>>) dst(%arg7 : memref<128xi32, #tpu.memory_space<vmem>>)
    %dma_wait3A_34 = arith.constant 0 : i32
    %dma_wait3A_35 = tpu.memref_slice %arg3[%dma_wait3A_34] : memref<200000xi32, #tpu.memory_space<hbm>> -> memref<128xi32, #tpu.memory_space<hbm>>
    %dma_wait3A_36 = arith.constant 0 : i32
    %dma_wait3A_37 = tpu.memref_slice %arg3[%dma_wait3A_36] : memref<200000xi32, #tpu.memory_space<hbm>> -> memref<128xi32, #tpu.memory_space<hbm>>
    tpu.wait_dma2 semaphore(%arg17 : memref<!tpu.dma_semaphore, #tpu.memory_space<semaphore_mem>>) src(%dma_wait3A_37 : memref<128xi32, #tpu.memory_space<hbm>>) dst(%arg9 : memref<128xi32, #tpu.memory_space<vmem>>)
    %dma_wait3A_38 = arith.constant 0 : i32
    %dma_wait3A_39 = tpu.memref_slice %arg3[%dma_wait3A_38] : memref<200000xi32, #tpu.memory_space<hbm>> -> memref<128xi32, #tpu.memory_space<hbm>>
    %dma_wait3A_40 = arith.constant 0 : i32
    %dma_wait3A_41 = tpu.memref_slice %arg3[%dma_wait3A_40] : memref<200000xi32, #tpu.memory_space<hbm>> -> memref<128xi32, #tpu.memory_space<hbm>>
    tpu.wait_dma2 semaphore(%arg17 : memref<!tpu.dma_semaphore, #tpu.memory_space<semaphore_mem>>) src(%dma_wait3A_41 : memref<128xi32, #tpu.memory_space<hbm>>) dst(%arg11 : memref<128xi32, #tpu.memory_space<vmem>>)
    %get3A = arith.constant 0 : index
    %get3A_42 = tpu.vector_load %arg7[%get3A] {strides = array<i32>} : memref<128xi32, #tpu.memory_space<vmem>>, vector<16xi32>,
    %get3A_43 = arith.constant 0 : index
    %get3A_44 = tpu.vector_load %arg9[%get3A_43] {strides = array<i32>} : memref<128xi32, #tpu.memory_space<vmem>>, vector<16xi32>,
    %get3A_45 = arith.constant 0 : index
    %get3A_46 = tpu.vector_load %arg11[%get3A_45] {strides = array<i32>} : memref<128xi32, #tpu.memory_space<vmem>>, vector<16xi32>,
    %mul3A_47 = arith.constant 4096 : i32
    %mul3A_48 = vector.broadcast %mul3A_47 : i32 to vector<16xi32>
    %mul3A_49 = arith.muli %get3A_42, %mul3A_48 : vector<16xi32>
    %mul3A_50 = arith.constant 64 : i32
    %mul3A_51 = vector.broadcast %mul3A_50 : i32 to vector<16xi32>
    %mul3A_52 = arith.muli %get3A_46, %mul3A_51 : vector<16xi32>
    %add3A_53 = arith.addi %mul3A_49, %mul3A_52 : vector<16xi32>
    %add3A_54 = arith.addi %add3A_53, %get3A_44 : vector<16xi32>
    %swap3A = arith.constant 0 : index
    %swap3A_55 = tpu.vector_load %arg13[%swap3A] {strides = array<i32>} : memref<128xi32, #tpu.memory_space<vmem>>, vector<16xi32>,
    tpu.vector_store %arg13[%swap3A], %add3A_54 {strides = array<i32>} : memref<128xi32, #tpu.memory_space<vmem>>, vector<16xi32>,
    %get3A_56 = arith.constant 16 : index
    %get3A_57 = tpu.vector_load %arg7[%get3A_56] {strides = array<i32>} : memref<128xi32, #tpu.memory_space<vmem>>, vector<16xi32>,
    %get3A_58 = arith.constant 16 : index
    %get3A_59 = tpu.vector_load %arg9[%get3A_58] {strides = array<i32>} : memref<128xi32, #tpu.memory_space<vmem>>, vector<16xi32>,
    %get3A_60 = arith.constant 16 : index
    %get3A_61 = tpu.vector_load %arg11[%get3A_60] {strides = array<i32>} : memref<128xi32, #tpu.memory_space<vmem>>, vector<16xi32>,
    %mul3A_62 = arith.constant 4096 : i32
    %mul3A_63 = vector.broadcast %mul3A_62 : i32 to vector<16xi32>
    %mul3A_64 = arith.muli %get3A_57, %mul3A_63 : vector<16xi32>
    %mul3A_65 = arith.constant 64 : i32
    %mul3A_66 = vector.broadcast %mul3A_65 : i32 to vector<16xi32>
    %mul3A_67 = arith.muli %get3A_61, %mul3A_66 : vector<16xi32>
    %add3A_68 = arith.addi %mul3A_64, %mul3A_67 : vector<16xi32>
    %add3A_69 = arith.addi %add3A_68, %get3A_59 : vector<16xi32>
    %swap3A_70 = arith.constant 16 : index
    %swap3A_71 = tpu.vector_load %arg13[%swap3A_70] {strides = array<i32>} : memref<128xi32, #tpu.memory_space<vmem>>, vector<16xi32>,
    tpu.vector_store %arg13[%swap3A_70], %add3A_69 {strides = array<i32>} : memref<128xi32, #tpu.memory_space<vmem>>, vector<16xi32>,
    %get3A_72 = arith.constant 32 : index
    %get3A_73 = tpu.vector_load %arg7[%get3A_72] {strides = array<i32>} : memref<128xi32, #tpu.memory_space<vmem>>, vector<16xi32>,
    %get3A_74 = arith.constant 32 : index
    %get3A_75 = tpu.vector_load %arg9[%get3A_74] {strides = array<i32>} : memref<128xi32, #tpu.memory_space<vmem>>, vector<16xi32>,
    %get3A_76 = arith.constant 32 : index
    %get3A_77 = tpu.vector_load %arg11[%get3A_76] {strides = array<i32>} : memref<128xi32, #tpu.memory_space<vmem>>, vector<16xi32>,
    %mul3A_78 = arith.constant 4096 : i32
    %mul3A_79 = vector.broadcast %mul3A_78 : i32 to vector<16xi32>
    %mul3A_80 = arith.muli %get3A_73, %mul3A_79 : vector<16xi32>
    %mul3A_81 = arith.constant 64 : i32
    %mul3A_82 = vector.broadcast %mul3A_81 : i32 to vector<16xi32>
    %mul3A_83 = arith.muli %get3A_77, %mul3A_82 : vector<16xi32>
    %add3A_84 = arith.addi %mul3A_80, %mul3A_83 : vector<16xi32>
    %add3A_85 = arith.addi %add3A_84, %get3A_75 : vector<16xi32>
    %swap3A_86 = arith.constant 32 : index
    %swap3A_87 = tpu.vector_load %arg13[%swap3A_86] {strides = array<i32>} : memref<128xi32, #tpu.memory_space<vmem>>, vector<16xi32>,
    tpu.vector_store %arg13[%swap3A_86], %add3A_85 {strides = array<i32>} : memref<128xi32, #tpu.memory_space<vmem>>, vector<16xi32>,
    %get3A_88 = arith.constant 48 : index
    %get3A_89 = tpu.vector_load %arg7[%get3A_88] {strides = array<i32>} : memref<128xi32, #tpu.memory_space<vmem>>, vector<16xi32>,
    %get3A_90 = arith.constant 48 : index
    %get3A_91 = tpu.vector_load %arg9[%get3A_90] {strides = array<i32>} : memref<128xi32, #tpu.memory_space<vmem>>, vector<16xi32>,
    %get3A_92 = arith.constant 48 : index
    %get3A_93 = tpu.vector_load %arg11[%get3A_92] {strides = array<i32>} : memref<128xi32, #tpu.memory_space<vmem>>, vector<16xi32>,
    %mul3A_94 = arith.constant 4096 : i32
    %mul3A_95 = vector.broadcast %mul3A_94 : i32 to vector<16xi32>
    %mul3A_96 = arith.muli %get3A_89, %mul3A_95 : vector<16xi32>
    %mul3A_97 = arith.constant 64 : i32
    %mul3A_98 = vector.broadcast %mul3A_97 : i32 to vector<16xi32>
    %mul3A_99 = arith.muli %get3A_93, %mul3A_98 : vector<16xi32>
    %add3A_100 = arith.addi %mul3A_96, %mul3A_99 : vector<16xi32>
    %add3A_101 = arith.addi %add3A_100, %get3A_91 : vector<16xi32>
    %swap3A_102 = arith.constant 48 : index
    %swap3A_103 = tpu.vector_load %arg13[%swap3A_102] {strides = array<i32>} : memref<128xi32, #tpu.memory_space<vmem>>, vector<16xi32>,
    tpu.vector_store %arg13[%swap3A_102], %add3A_101 {strides = array<i32>} : memref<128xi32, #tpu.memory_space<vmem>>, vector<16xi32>,
    %get3A_104 = arith.constant 64 : index
    %get3A_105 = tpu.vector_load %arg7[%get3A_104] {strides = array<i32>} : memref<128xi32, #tpu.memory_space<vmem>>, vector<16xi32>,
    %get3A_106 = arith.constant 64 : index
    %get3A_107 = tpu.vector_load %arg9[%get3A_106] {strides = array<i32>} : memref<128xi32, #tpu.memory_space<vmem>>, vector<16xi32>,
    %get3A_108 = arith.constant 64 : index
    %get3A_109 = tpu.vector_load %arg11[%get3A_108] {strides = array<i32>} : memref<128xi32, #tpu.memory_space<vmem>>, vector<16xi32>,
    %mul3A_110 = arith.constant 4096 : i32
    %mul3A_111 = vector.broadcast %mul3A_110 : i32 to vector<16xi32>
    %mul3A_112 = arith.muli %get3A_105, %mul3A_111 : vector<16xi32>
    %mul3A_113 = arith.constant 64 : i32
    %mul3A_114 = vector.broadcast %mul3A_113 : i32 to vector<16xi32>
    %mul3A_115 = arith.muli %get3A_109, %mul3A_114 : vector<16xi32>
    %add3A_116 = arith.addi %mul3A_112, %mul3A_115 : vector<16xi32>
    %add3A_117 = arith.addi %add3A_116, %get3A_107 : vector<16xi32>
    %swap3A_118 = arith.constant 64 : index
    %swap3A_119 = tpu.vector_load %arg13[%swap3A_118] {strides = array<i32>} : memref<128xi32, #tpu.memory_space<vmem>>, vector<16xi32>,
    tpu.vector_store %arg13[%swap3A_118], %add3A_117 {strides = array<i32>} : memref<128xi32, #tpu.memory_space<vmem>>, vector<16xi32>,
    %get3A_120 = arith.constant 80 : index
    %get3A_121 = tpu.vector_load %arg7[%get3A_120] {strides = array<i32>} : memref<128xi32, #tpu.memory_space<vmem>>, vector<16xi32>,
    %get3A_122 = arith.constant 80 : index
    %get3A_123 = tpu.vector_load %arg9[%get3A_122] {strides = array<i32>} : memref<128xi32, #tpu.memory_space<vmem>>, vector<16xi32>,
    %get3A_124 = arith.constant 80 : index
    %get3A_125 = tpu.vector_load %arg11[%get3A_124] {strides = array<i32>} : memref<128xi32, #tpu.memory_space<vmem>>, vector<16xi32>,
    %mul3A_126 = arith.constant 4096 : i32
    %mul3A_127 = vector.broadcast %mul3A_126 : i32 to vector<16xi32>
    %mul3A_128 = arith.muli %get3A_121, %mul3A_127 : vector<16xi32>
    %mul3A_129 = arith.constant 64 : i32
    %mul3A_130 = vector.broadcast %mul3A_129 : i32 to vector<16xi32>
    %mul3A_131 = arith.muli %get3A_125, %mul3A_130 : vector<16xi32>
    %add3A_132 = arith.addi %mul3A_128, %mul3A_131 : vector<16xi32>
    %add3A_133 = arith.addi %add3A_132, %get3A_123 : vector<16xi32>
    %swap3A_134 = arith.constant 80 : index
    %swap3A_135 = tpu.vector_load %arg13[%swap3A_134] {strides = array<i32>} : memref<128xi32, #tpu.memory_space<vmem>>, vector<16xi32>,
    tpu.vector_store %arg13[%swap3A_134], %add3A_133 {strides = array<i32>} : memref<128xi32, #tpu.memory_space<vmem>>, vector<16xi32>,
    %get3A_136 = arith.constant 96 : index
    %get3A_137 = tpu.vector_load %arg7[%get3A_136] {strides = array<i32>} : memref<128xi32, #tpu.memory_space<vmem>>, vector<16xi32>,
    %get3A_138 = arith.constant 96 : index
    %get3A_139 = tpu.vector_load %arg9[%get3A_138] {strides = array<i32>} : memref<128xi32, #tpu.memory_space<vmem>>, vector<16xi32>,
    %get3A_140 = arith.constant 96 : index
    %get3A_141 = tpu.vector_load %arg11[%get3A_140] {strides = array<i32>} : memref<128xi32, #tpu.memory_space<vmem>>, vector<16xi32>,
    %mul3A_142 = arith.constant 4096 : i32
    %mul3A_143 = vector.broadcast %mul3A_142 : i32 to vector<16xi32>
    %mul3A_144 = arith.muli %get3A_137, %mul3A_143 : vector<16xi32>
    %mul3A_145 = arith.constant 64 : i32
    %mul3A_146 = vector.broadcast %mul3A_145 : i32 to vector<16xi32>
    %mul3A_147 = arith.muli %get3A_141, %mul3A_146 : vector<16xi32>
    %add3A_148 = arith.addi %mul3A_144, %mul3A_147 : vector<16xi32>
    %add3A_149 = arith.addi %add3A_148, %get3A_139 : vector<16xi32>
    %swap3A_150 = arith.constant 96 : index
    %swap3A_151 = tpu.vector_load %arg13[%swap3A_150] {strides = array<i32>} : memref<128xi32, #tpu.memory_space<vmem>>, vector<16xi32>,
    tpu.vector_store %arg13[%swap3A_150], %add3A_149 {strides = array<i32>} : memref<128xi32, #tpu.memory_space<vmem>>, vector<16xi32>,
    %get3A_152 = arith.constant 112 : index
    %get3A_153 = tpu.vector_load %arg7[%get3A_152] {strides = array<i32>} : memref<128xi32, #tpu.memory_space<vmem>>, vector<16xi32>,
    %get3A_154 = arith.constant 112 : index
    %get3A_155 = tpu.vector_load %arg9[%get3A_154] {strides = array<i32>} : memref<128xi32, #tpu.memory_space<vmem>>, vector<16xi32>,
    %get3A_156 = arith.constant 112 : index
    %get3A_157 = tpu.vector_load %arg11[%get3A_156] {strides = array<i32>} : memref<128xi32, #tpu.memory_space<vmem>>, vector<16xi32>,
    %mul3A_158 = arith.constant 4096 : i32
    %mul3A_159 = vector.broadcast %mul3A_158 : i32 to vector<16xi32>
    %mul3A_160 = arith.muli %get3A_153, %mul3A_159 : vector<16xi32>
    %mul3A_161 = arith.constant 64 : i32
    %mul3A_162 = vector.broadcast %mul3A_161 : i32 to vector<16xi32>
    %mul3A_163 = arith.muli %get3A_157, %mul3A_162 : vector<16xi32>
    %add3A_164 = arith.addi %mul3A_160, %mul3A_163 : vector<16xi32>
    %add3A_165 = arith.addi %add3A_164, %get3A_155 : vector<16xi32>
    %swap3A_166 = arith.constant 112 : index
    %swap3A_167 = tpu.vector_load %arg13[%swap3A_166] {strides = array<i32>} : memref<128xi32, #tpu.memory_space<vmem>>, vector<16xi32>,
    tpu.vector_store %arg13[%swap3A_166], %add3A_165 {strides = array<i32>} : memref<128xi32, #tpu.memory_space<vmem>>, vector<16xi32>,
    %add3A_168 = arith.constant 0 : i32
    %add3A_169 = arith.constant 2 : i32
    %add3A_170 = arith.addi %add3A_168, %add3A_169 : i32
    %mul3A_171 = arith.constant 32 : i32
    %mul3A_172 = arith.muli %add3A_170, %mul3A_171 : i32
    %add3A_173 = arith.addi %add3A, %mul3A_172 : i32
    %min3A_174 = arith.constant 1562 : i32
    %min3A_175 = arith.minsi %add3A_173, %min3A_174 : i32
    %mul3A_176 = arith.constant 128 : i32
    %mul3A_177 = arith.muli %min3A_175, %mul3A_176 : i32
    %min3A_178 = arith.constant 199872 : i32
    %min3A_179 = arith.minsi %mul3A_177, %min3A_178 : i32
    %dma_start3A_180 = tpu.memref_slice %arg3[%min3A_179] : memref<200000xi32, #tpu.memory_space<hbm>> -> memref<128xi32, #tpu.memory_space<hbm>>
    %dma_start3A_181 = tpu.memref_slice %arg3[%min3A_179] : memref<200000xi32, #tpu.memory_space<hbm>> -> memref<128xi32, #tpu.memory_space<hbm>>
    tpu.enqueue_dma source(%dma_start3A_181 : memref<128xi32, #tpu.memory_space<hbm>>) target(%arg7 : memref<128xi32, #tpu.memory_space<vmem>>) target_semaphore(%arg17 : memref<!tpu.dma_semaphore, #tpu.memory_space<semaphore_mem>>)
    %dma_start3A_182 = tpu.memref_slice %arg4[%min3A_179] : memref<200000xi32, #tpu.memory_space<hbm>> -> memref<128xi32, #tpu.memory_space<hbm>>
    %dma_start3A_183 = tpu.memref_slice %arg4[%min3A_179] : memref<200000xi32, #tpu.memory_space<hbm>> -> memref<128xi32, #tpu.memory_space<hbm>>
    tpu.enqueue_dma source(%dma_start3A_183 : memref<128xi32, #tpu.memory_space<hbm>>) target(%arg9 : memref<128xi32, #tpu.memory_space<vmem>>) target_semaphore(%arg17 : memref<!tpu.dma_semaphore, #tpu.memory_space<semaphore_mem>>)
    %dma_start3A_184 = tpu.memref_slice %arg5[%min3A_179] : memref<200000xi32, #tpu.memory_space<hbm>> -> memref<128xi32, #tpu.memory_space<hbm>>
    %dma_start3A_185 = tpu.memref_slice %arg5[%min3A_179] : memref<200000xi32, #tpu.memory_space<hbm>> -> memref<128xi32, #tpu.memory_space<hbm>>
    tpu.enqueue_dma source(%dma_start3A_185 : memref<128xi32, #tpu.memory_space<hbm>>) target(%arg11 : memref<128xi32, #tpu.memory_space<vmem>>) target_semaphore(%arg17 : memref<!tpu.dma_semaphore, #tpu.memory_space<semaphore_mem>>)
    %dma_start3A_186 = arith.constant 0 : i32
    %dma_start3A_187 = arith.constant 0 : i32
    %dma_start3A_188 = tpu.memref_slice %arg2[%dma_start3A_186, %dma_start3A_187] : memref<65536x256xf32, #tpu.memory_space<hbm>> -> memref<65536x256xf32, #tpu.memory_space<hbm>>
    tpu.enqueue_indirect_dma source(%dma_start3A_188 : memref<65536x256xf32, #tpu.memory_space<hbm>>) target(%arg15 : memref<128x256xf32, #tpu.memory_space<vmem>>) offsets(%arg13 : memref<128xi32, #tpu.memory_space<vmem>>) semaphore(%arg19 : memref<!tpu.dma_semaphore, #tpu.memory_space<semaphore_mem>>)
    %dma_wait3A_189 = arith.constant 0 : i32
    %dma_wait3A_190 = tpu.memref_slice %arg3[%dma_wait3A_189] : memref<200000xi32, #tpu.memory_space<hbm>> -> memref<128xi32, #tpu.memory_space<hbm>>
    %dma_wait3A_191 = arith.constant 0 : i32
    %dma_wait3A_192 = tpu.memref_slice %arg3[%dma_wait3A_191] : memref<200000xi32, #tpu.memory_space<hbm>> -> memref<128xi32, #tpu.memory_space<hbm>>
    tpu.wait_dma2 semaphore(%arg18 : memref<!tpu.dma_semaphore, #tpu.memory_space<semaphore_mem>>) src(%dma_wait3A_192 : memref<128xi32, #tpu.memory_space<hbm>>) dst(%arg8 : memref<128xi32, #tpu.memory_space<vmem>>)
    %dma_wait3A_193 = arith.constant 0 : i32
    %dma_wait3A_194 = tpu.memref_slice %arg3[%dma_wait3A_193] : memref<200000xi32, #tpu.memory_space<hbm>> -> memref<128xi32, #tpu.memory_space<hbm>>
    %dma_wait3A_195 = arith.constant 0 : i32
    %dma_wait3A_196 = tpu.memref_slice %arg3[%dma_wait3A_195] : memref<200000xi32, #tpu.memory_space<hbm>> -> memref<128xi32, #tpu.memory_space<hbm>>
    tpu.wait_dma2 semaphore(%arg18 : memref<!tpu.dma_semaphore, #tpu.memory_space<semaphore_mem>>) src(%dma_wait3A_196 : memref<128xi32, #tpu.memory_space<hbm>>) dst(%arg10 : memref<128xi32, #tpu.memory_space<vmem>>)
    %dma_wait3A_197 = arith.constant 0 : i32
    %dma_wait3A_198 = tpu.memref_slice %arg3[%dma_wait3A_197] : memref<200000xi32, #tpu.memory_space<hbm>> -> memref<128xi32, #tpu.memory_space<hbm>>
    %dma_wait3A_199 = arith.constant 0 : i32
    %dma_wait3A_200 = tpu.memref_slice %arg3[%dma_wait3A_199] : memref<200000xi32, #tpu.memory_space<hbm>> -> memref<128xi32, #tpu.memory_space<hbm>>
    tpu.wait_dma2 semaphore(%arg18 : memref<!tpu.dma_semaphore, #tpu.memory_space<semaphore_mem>>) src(%dma_wait3A_200 : memref<128xi32, #tpu.memory_space<hbm>>) dst(%arg12 : memref<128xi32, #tpu.memory_space<vmem>>)
    %get3A_201 = arith.constant 0 : index
    %get3A_202 = tpu.vector_load %arg8[%get3A_201] {strides = array<i32>} : memref<128xi32, #tpu.memory_space<vmem>>, vector<16xi32>,
    %get3A_203 = arith.constant 0 : index
    %get3A_204 = tpu.vector_load %arg10[%get3A_203] {strides = array<i32>} : memref<128xi32, #tpu.memory_space<vmem>>, vector<16xi32>,
    %get3A_205 = arith.constant 0 : index
    %get3A_206 = tpu.vector_load %arg12[%get3A_205] {strides = array<i32>} : memref<128xi32, #tpu.memory_space<vmem>>, vector<16xi32>,
    %mul3A_207 = arith.constant 4096 : i32
    %mul3A_208 = vector.broadcast %mul3A_207 : i32 to vector<16xi32>
    %mul3A_209 = arith.muli %get3A_202, %mul3A_208 : vector<16xi32>
    %mul3A_210 = arith.constant 64 : i32
    %mul3A_211 = vector.broadcast %mul3A_210 : i32 to vector<16xi32>
    %mul3A_212 = arith.muli %get3A_206, %mul3A_211 : vector<16xi32>
    %add3A_213 = arith.addi %mul3A_209, %mul3A_212 : vector<16xi32>
    %add3A_214 = arith.addi %add3A_213, %get3A_204 : vector<16xi32>
    %swap3A_215 = arith.constant 0 : index
    %swap3A_216 = tpu.vector_load %arg14[%swap3A_215] {strides = array<i32>} : memref<128xi32, #tpu.memory_space<vmem>>, vector<16xi32>,
    tpu.vector_store %arg14[%swap3A_215], %add3A_214 {strides = array<i32>} : memref<128xi32, #tpu.memory_space<vmem>>, vector<16xi32>,
    %get3A_217 = arith.constant 16 : index
    %get3A_218 = tpu.vector_load %arg8[%get3A_217] {strides = array<i32>} : memref<128xi32, #tpu.memory_space<vmem>>, vector<16xi32>,
    %get3A_219 = arith.constant 16 : index
    %get3A_220 = tpu.vector_load %arg10[%get3A_219] {strides = array<i32>} : memref<128xi32, #tpu.memory_space<vmem>>, vector<16xi32>,
    %get3A_221 = arith.constant 16 : index
    %get3A_222 = tpu.vector_load %arg12[%get3A_221] {strides = array<i32>} : memref<128xi32, #tpu.memory_space<vmem>>, vector<16xi32>,
    %mul3A_223 = arith.constant 4096 : i32
    %mul3A_224 = vector.broadcast %mul3A_223 : i32 to vector<16xi32>
    %mul3A_225 = arith.muli %get3A_218, %mul3A_224 : vector<16xi32>
    %mul3A_226 = arith.constant 64 : i32
    %mul3A_227 = vector.broadcast %mul3A_226 : i32 to vector<16xi32>
    %mul3A_228 = arith.muli %get3A_222, %mul3A_227 : vector<16xi32>
    %add3A_229 = arith.addi %mul3A_225, %mul3A_228 : vector<16xi32>
    %add3A_230 = arith.addi %add3A_229, %get3A_220 : vector<16xi32>
    %swap3A_231 = arith.constant 16 : index
    %swap3A_232 = tpu.vector_load %arg14[%swap3A_231] {strides = array<i32>} : memref<128xi32, #tpu.memory_space<vmem>>, vector<16xi32>,
    tpu.vector_store %arg14[%swap3A_231], %add3A_230 {strides = array<i32>} : memref<128xi32, #tpu.memory_space<vmem>>, vector<16xi32>,
    %get3A_233 = arith.constant 32 : index
    %get3A_234 = tpu.vector_load %arg8[%get3A_233] {strides = array<i32>} : memref<128xi32, #tpu.memory_space<vmem>>, vector<16xi32>,
    %get3A_235 = arith.constant 32 : index
    %get3A_236 = tpu.vector_load %arg10[%get3A_235] {strides = array<i32>} : memref<128xi32, #tpu.memory_space<vmem>>, vector<16xi32>,
    %get3A_237 = arith.constant 32 : index
    %get3A_238 = tpu.vector_load %arg12[%get3A_237] {strides = array<i32>} : memref<128xi32, #tpu.memory_space<vmem>>, vector<16xi32>,
    %mul3A_239 = arith.constant 4096 : i32
    %mul3A_240 = vector.broadcast %mul3A_239 : i32 to vector<16xi32>
    %mul3A_241 = arith.muli %get3A_234, %mul3A_240 : vector<16xi32>
    %mul3A_242 = arith.constant 64 : i32
    %mul3A_243 = vector.broadcast %mul3A_242 : i32 to vector<16xi32>
    %mul3A_244 = arith.muli %get3A_238, %mul3A_243 : vector<16xi32>
    %add3A_245 = arith.addi %mul3A_241, %mul3A_244 : vector<16xi32>
    %add3A_246 = arith.addi %add3A_245, %get3A_236 : vector<16xi32>
    %swap3A_247 = arith.constant 32 : index
    %swap3A_248 = tpu.vector_load %arg14[%swap3A_247] {strides = array<i32>} : memref<128xi32, #tpu.memory_space<vmem>>, vector<16xi32>,
    tpu.vector_store %arg14[%swap3A_247], %add3A_246 {strides = array<i32>} : memref<128xi32, #tpu.memory_space<vmem>>, vector<16xi32>,
    %get3A_249 = arith.constant 48 : index
    %get3A_250 = tpu.vector_load %arg8[%get3A_249] {strides = array<i32>} : memref<128xi32, #tpu.memory_space<vmem>>, vector<16xi32>,
    %get3A_251 = arith.constant 48 : index
    %get3A_252 = tpu.vector_load %arg10[%get3A_251] {strides = array<i32>} : memref<128xi32, #tpu.memory_space<vmem>>, vector<16xi32>,
    %get3A_253 = arith.constant 48 : index
    %get3A_254 = tpu.vector_load %arg12[%get3A_253] {strides = array<i32>} : memref<128xi32, #tpu.memory_space<vmem>>, vector<16xi32>,
    %mul3A_255 = arith.constant 4096 : i32
    %mul3A_256 = vector.broadcast %mul3A_255 : i32 to vector<16xi32>
    %mul3A_257 = arith.muli %get3A_250, %mul3A_256 : vector<16xi32>
    %mul3A_258 = arith.constant 64 : i32
    %mul3A_259 = vector.broadcast %mul3A_258 : i32 to vector<16xi32>
    %mul3A_260 = arith.muli %get3A_254, %mul3A_259 : vector<16xi32>
    %add3A_261 = arith.addi %mul3A_257, %mul3A_260 : vector<16xi32>
    %add3A_262 = arith.addi %add3A_261, %get3A_252 : vector<16xi32>
    %swap3A_263 = arith.constant 48 : index
    %swap3A_264 = tpu.vector_load %arg14[%swap3A_263] {strides = array<i32>} : memref<128xi32, #tpu.memory_space<vmem>>, vector<16xi32>,
    tpu.vector_store %arg14[%swap3A_263], %add3A_262 {strides = array<i32>} : memref<128xi32, #tpu.memory_space<vmem>>, vector<16xi32>,
    %get3A_265 = arith.constant 64 : index
    %get3A_266 = tpu.vector_load %arg8[%get3A_265] {strides = array<i32>} : memref<128xi32, #tpu.memory_space<vmem>>, vector<16xi32>,
    %get3A_267 = arith.constant 64 : index
    %get3A_268 = tpu.vector_load %arg10[%get3A_267] {strides = array<i32>} : memref<128xi32, #tpu.memory_space<vmem>>, vector<16xi32>,
    %get3A_269 = arith.constant 64 : index
    %get3A_270 = tpu.vector_load %arg12[%get3A_269] {strides = array<i32>} : memref<128xi32, #tpu.memory_space<vmem>>, vector<16xi32>,
    %mul3A_271 = arith.constant 4096 : i32
    %mul3A_272 = vector.broadcast %mul3A_271 : i32 to vector<16xi32>
    %mul3A_273 = arith.muli %get3A_266, %mul3A_272 : vector<16xi32>
    %mul3A_274 = arith.constant 64 : i32
    %mul3A_275 = vector.broadcast %mul3A_274 : i32 to vector<16xi32>
    %mul3A_276 = arith.muli %get3A_270, %mul3A_275 : vector<16xi32>
    %add3A_277 = arith.addi %mul3A_273, %mul3A_276 : vector<16xi32>
    %add3A_278 = arith.addi %add3A_277, %get3A_268 : vector<16xi32>
    %swap3A_279 = arith.constant 64 : index
    %swap3A_280 = tpu.vector_load %arg14[%swap3A_279] {strides = array<i32>} : memref<128xi32, #tpu.memory_space<vmem>>, vector<16xi32>,
    tpu.vector_store %arg14[%swap3A_279], %add3A_278 {strides = array<i32>} : memref<128xi32, #tpu.memory_space<vmem>>, vector<16xi32>,
    %get3A_281 = arith.constant 80 : index
    %get3A_282 = tpu.vector_load %arg8[%get3A_281] {strides = array<i32>} : memref<128xi32, #tpu.memory_space<vmem>>, vector<16xi32>,
    %get3A_283 = arith.constant 80 : index
    %get3A_284 = tpu.vector_load %arg10[%get3A_283] {strides = array<i32>} : memref<128xi32, #tpu.memory_space<vmem>>, vector<16xi32>,
    %get3A_285 = arith.constant 80 : index
    %get3A_286 = tpu.vector_load %arg12[%get3A_285] {strides = array<i32>} : memref<128xi32, #tpu.memory_space<vmem>>, vector<16xi32>,
    %mul3A_287 = arith.constant 4096 : i32
    %mul3A_288 = vector.broadcast %mul3A_287 : i32 to vector<16xi32>
    %mul3A_289 = arith.muli %get3A_282, %mul3A_288 : vector<16xi32>
    %mul3A_290 = arith.constant 64 : i32
    %mul3A_291 = vector.broadcast %mul3A_290 : i32 to vector<16xi32>
    %mul3A_292 = arith.muli %get3A_286, %mul3A_291 : vector<16xi32>
    %add3A_293 = arith.addi %mul3A_289, %mul3A_292 : vector<16xi32>
    %add3A_294 = arith.addi %add3A_293, %get3A_284 : vector<16xi32>
    %swap3A_295 = arith.constant 80 : index
    %swap3A_296 = tpu.vector_load %arg14[%swap3A_295] {strides = array<i32>} : memref<128xi32, #tpu.memory_space<vmem>>, vector<16xi32>,
    tpu.vector_store %arg14[%swap3A_295], %add3A_294 {strides = array<i32>} : memref<128xi32, #tpu.memory_space<vmem>>, vector<16xi32>,
    %get3A_297 = arith.constant 96 : index
    %get3A_298 = tpu.vector_load %arg8[%get3A_297] {strides = array<i32>} : memref<128xi32, #tpu.memory_space<vmem>>, vector<16xi32>,
    %get3A_299 = arith.constant 96 : index
    %get3A_300 = tpu.vector_load %arg10[%get3A_299] {strides = array<i32>} : memref<128xi32, #tpu.memory_space<vmem>>, vector<16xi32>,
    %get3A_301 = arith.constant 96 : index
    %get3A_302 = tpu.vector_load %arg12[%get3A_301] {strides = array<i32>} : memref<128xi32, #tpu.memory_space<vmem>>, vector<16xi32>,
    %mul3A_303 = arith.constant 4096 : i32
    %mul3A_304 = vector.broadcast %mul3A_303 : i32 to vector<16xi32>
    %mul3A_305 = arith.muli %get3A_298, %mul3A_304 : vector<16xi32>
    %mul3A_306 = arith.constant 64 : i32
    %mul3A_307 = vector.broadcast %mul3A_306 : i32 to vector<16xi32>
    %mul3A_308 = arith.muli %get3A_302, %mul3A_307 : vector<16xi32>
    %add3A_309 = arith.addi %mul3A_305, %mul3A_308 : vector<16xi32>
    %add3A_310 = arith.addi %add3A_309, %get3A_300 : vector<16xi32>
    %swap3A_311 = arith.constant 96 : index
    %swap3A_312 = tpu.vector_load %arg14[%swap3A_311] {strides = array<i32>} : memref<128xi32, #tpu.memory_space<vmem>>, vector<16xi32>,
    tpu.vector_store %arg14[%swap3A_311], %add3A_310 {strides = array<i32>} : memref<128xi32, #tpu.memory_space<vmem>>, vector<16xi32>,
    %get3A_313 = arith.constant 112 : index
    %get3A_314 = tpu.vector_load %arg8[%get3A_313] {strides = array<i32>} : memref<128xi32, #tpu.memory_space<vmem>>, vector<16xi32>,
    %get3A_315 = arith.constant 112 : index
    %get3A_316 = tpu.vector_load %arg10[%get3A_315] {strides = array<i32>} : memref<128xi32, #tpu.memory_space<vmem>>, vector<16xi32>,
    %get3A_317 = arith.constant 112 : index
    %get3A_318 = tpu.vector_load %arg12[%get3A_317] {strides = array<i32>} : memref<128xi32, #tpu.memory_space<vmem>>, vector<16xi32>,
    %mul3A_319 = arith.constant 4096 : i32
    %mul3A_320 = vector.broadcast %mul3A_319 : i32 to vector<16xi32>
    %mul3A_321 = arith.muli %get3A_314, %mul3A_320 : vector<16xi32>
    %mul3A_322 = arith.constant 64 : i32
    %mul3A_323 = vector.broadcast %mul3A_322 : i32 to vector<16xi32>
    %mul3A_324 = arith.muli %get3A_318, %mul3A_323 : vector<16xi32>
    %add3A_325 = arith.addi %mul3A_321, %mul3A_324 : vector<16xi32>
    %add3A_326 = arith.addi %add3A_325, %get3A_316 : vector<16xi32>
    %swap3A_327 = arith.constant 112 : index
    %swap3A_328 = tpu.vector_load %arg14[%swap3A_327] {strides = array<i32>} : memref<128xi32, #tpu.memory_space<vmem>>, vector<16xi32>,
    tpu.vector_store %arg14[%swap3A_327], %add3A_326 {strides = array<i32>} : memref<128xi32, #tpu.memory_space<vmem>>, vector<16xi32>,
    %add3A_329 = arith.constant 1 : i32
    %add3A_330 = arith.constant 2 : i32
    %add3A_331 = arith.addi %add3A_329, %add3A_330 : i32
    %mul3A_332 = arith.constant 32 : i32
    %mul3A_333 = arith.muli %add3A_331, %mul3A_332 : i32
    %add3A_334 = arith.addi %add3A, %mul3A_333 : i32
    %min3A_335 = arith.constant 1562 : i32
    %min3A_336 = arith.minsi %add3A_334, %min3A_335 : i32
    %mul3A_337 = arith.constant 128 : i32
    %mul3A_338 = arith.muli %min3A_336, %mul3A_337 : i32
    %min3A_339 = arith.constant 199872 : i32
    %min3A_340 = arith.minsi %mul3A_338, %min3A_339 : i32
    %dma_start3A_341 = tpu.memref_slice %arg3[%min3A_340] : memref<200000xi32, #tpu.memory_space<hbm>> -> memref<128xi32, #tpu.memory_space<hbm>>
    %dma_start3A_342 = tpu.memref_slice %arg3[%min3A_340] : memref<200000xi32, #tpu.memory_space<hbm>> -> memref<128xi32, #tpu.memory_space<hbm>>
    tpu.enqueue_dma source(%dma_start3A_342 : memref<128xi32, #tpu.memory_space<hbm>>) target(%arg8 : memref<128xi32, #tpu.memory_space<vmem>>) target_semaphore(%arg18 : memref<!tpu.dma_semaphore, #tpu.memory_space<semaphore_mem>>)
    %dma_start3A_343 = tpu.memref_slice %arg4[%min3A_340] : memref<200000xi32, #tpu.memory_space<hbm>> -> memref<128xi32, #tpu.memory_space<hbm>>
    %dma_start3A_344 = tpu.memref_slice %arg4[%min3A_340] : memref<200000xi32, #tpu.memory_space<hbm>> -> memref<128xi32, #tpu.memory_space<hbm>>
    tpu.enqueue_dma source(%dma_start3A_344 : memref<128xi32, #tpu.memory_space<hbm>>) target(%arg10 : memref<128xi32, #tpu.memory_space<vmem>>) target_semaphore(%arg18 : memref<!tpu.dma_semaphore, #tpu.memory_space<semaphore_mem>>)
    %dma_start3A_345 = tpu.memref_slice %arg5[%min3A_340] : memref<200000xi32, #tpu.memory_space<hbm>> -> memref<128xi32, #tpu.memory_space<hbm>>
    %dma_start3A_346 = tpu.memref_slice %arg5[%min3A_340] : memref<200000xi32, #tpu.memory_space<hbm>> -> memref<128xi32, #tpu.memory_space<hbm>>
    tpu.enqueue_dma source(%dma_start3A_346 : memref<128xi32, #tpu.memory_space<hbm>>) target(%arg12 : memref<128xi32, #tpu.memory_space<vmem>>) target_semaphore(%arg18 : memref<!tpu.dma_semaphore, #tpu.memory_space<semaphore_mem>>)
    %dma_start3A_347 = arith.constant 0 : i32
    %dma_start3A_348 = arith.constant 0 : i32
    %dma_start3A_349 = tpu.memref_slice %arg2[%dma_start3A_347, %dma_start3A_348] : memref<65536x256xf32, #tpu.memory_space<hbm>> -> memref<65536x256xf32, #tpu.memory_space<hbm>>
    tpu.enqueue_indirect_dma source(%dma_start3A_349 : memref<65536x256xf32, #tpu.memory_space<hbm>>) target(%arg16 : memref<128x256xf32, #tpu.memory_space<vmem>>) offsets(%arg14 : memref<128xi32, #tpu.memory_space<vmem>>) semaphore(%arg20 : memref<!tpu.dma_semaphore, #tpu.memory_space<semaphore_mem>>)
    %dma_wait3A_350 = arith.constant 0 : i32
    %dma_wait3A_351 = arith.constant 0 : i32
    %dma_wait3A_352 = tpu.memref_slice %arg2[%dma_wait3A_350, %dma_wait3A_351] : memref<65536x256xf32, #tpu.memory_space<hbm>> -> memref<65536x256xf32, #tpu.memory_space<hbm>>
    tpu.wait_indirect_dma semaphore(%arg19 : memref<!tpu.dma_semaphore, #tpu.memory_space<semaphore_mem>>) src(%dma_wait3A_352 : memref<65536x256xf32, #tpu.memory_space<hbm>>) dst(%arg15 : memref<128x256xf32, #tpu.memory_space<vmem>>)
    %sub3A = arith.constant 1 : i32
    %sub3A_353 = arith.constant 1 : i32
    %sub3A_354 = arith.subi %sub3A, %sub3A_353 : i32
    %mul3A_355 = arith.constant 32 : i32
    %mul3A_356 = arith.muli %sub3A_354, %mul3A_355 : i32
    %add3A_357 = arith.addi %add3A, %mul3A_356 : i32
    %min3A_358 = arith.constant 1562 : i32
    %min3A_359 = arith.minsi %add3A_357, %min3A_358 : i32
    %mul3A_360 = arith.constant 128 : i32
    %mul3A_361 = arith.muli %min3A_359, %mul3A_360 : i32
    %min3A_362 = arith.constant 199872 : i32
    %min3A_363 = arith.minsi %mul3A_361, %min3A_362 : i32
    %dma_start3A_364 = arith.constant 0 : i32
    %dma_start3A_365 = tpu.memref_slice %arg6[%min3A_363, %dma_start3A_364] : memref<200000x256xf32, #tpu.memory_space<hbm>> -> memref<128x256xf32, #tpu.memory_space<hbm>>
    %dma_start3A_366 = arith.constant 0 : i32
    %dma_start3A_367 = tpu.memref_slice %arg6[%min3A_363, %dma_start3A_366] : memref<200000x256xf32, #tpu.memory_space<hbm>> -> memref<128x256xf32, #tpu.memory_space<hbm>>
    tpu.enqueue_dma source(%arg15 : memref<128x256xf32, #tpu.memory_space<vmem>>) target(%dma_start3A_367 : memref<128x256xf32, #tpu.memory_space<hbm>>) target_semaphore(%arg21 : memref<!tpu.dma_semaphore, #tpu.memory_space<semaphore_mem>>)
    %scan3A = arith.constant 0 : i32
    %scan3A_368 = arith.constant 1 : i32
    %scan3A_369 = arith.constant 23 : i32
    %scan3A_370 = arith.addi %scan3A_368, %scan3A_369 : i32
    %scan3A_371 = arith.constant 1 : i32
    scf.for %scan3A_612 = %scan3A_368 to %scan3A_370 step %scan3A_371  : i32 {
      %mul3A_613 = arith.constant 2 : i32
      %mul3A_614 = arith.muli %scan3A_612, %mul3A_613 : i32
      %dma_wait3A_615 = arith.constant 0 : i32
      %dma_wait3A_616 = tpu.memref_slice %arg3[%dma_wait3A_615] : memref<200000xi32, #tpu.memory_space<hbm>> -> memref<128xi32, #tpu.memory_space<hbm>>
      %dma_wait3A_617 = arith.constant 0 : i32
      %dma_wait3A_618 = tpu.memref_slice %arg3[%dma_wait3A_617] : memref<200000xi32, #tpu.memory_space<hbm>> -> memref<128xi32, #tpu.memory_space<hbm>>
      tpu.wait_dma2 semaphore(%arg17 : memref<!tpu.dma_semaphore, #tpu.memory_space<semaphore_mem>>) src(%dma_wait3A_618 : memref<128xi32, #tpu.memory_space<hbm>>) dst(%arg7 : memref<128xi32, #tpu.memory_space<vmem>>)
      %dma_wait3A_619 = arith.constant 0 : i32
      %dma_wait3A_620 = tpu.memref_slice %arg3[%dma_wait3A_619] : memref<200000xi32, #tpu.memory_space<hbm>> -> memref<128xi32, #tpu.memory_space<hbm>>
      %dma_wait3A_621 = arith.constant 0 : i32
      %dma_wait3A_622 = tpu.memref_slice %arg3[%dma_wait3A_621] : memref<200000xi32, #tpu.memory_space<hbm>> -> memref<128xi32, #tpu.memory_space<hbm>>
      tpu.wait_dma2 semaphore(%arg17 : memref<!tpu.dma_semaphore, #tpu.memory_space<semaphore_mem>>) src(%dma_wait3A_622 : memref<128xi32, #tpu.memory_space<hbm>>) dst(%arg9 : memref<128xi32, #tpu.memory_space<vmem>>)
      %dma_wait3A_623 = arith.constant 0 : i32
      %dma_wait3A_624 = tpu.memref_slice %arg3[%dma_wait3A_623] : memref<200000xi32, #tpu.memory_space<hbm>> -> memref<128xi32, #tpu.memory_space<hbm>>
      %dma_wait3A_625 = arith.constant 0 : i32
      %dma_wait3A_626 = tpu.memref_slice %arg3[%dma_wait3A_625] : memref<200000xi32, #tpu.memory_space<hbm>> -> memref<128xi32, #tpu.memory_space<hbm>>
      tpu.wait_dma2 semaphore(%arg17 : memref<!tpu.dma_semaphore, #tpu.memory_space<semaphore_mem>>) src(%dma_wait3A_626 : memref<128xi32, #tpu.memory_space<hbm>>) dst(%arg11 : memref<128xi32, #tpu.memory_space<vmem>>)
      %get3A_627 = arith.constant 0 : index
      %get3A_628 = tpu.vector_load %arg7[%get3A_627] {strides = array<i32>} : memref<128xi32, #tpu.memory_space<vmem>>, vector<16xi32>,
      %get3A_629 = arith.constant 0 : index
      %get3A_630 = tpu.vector_load %arg9[%get3A_629] {strides = array<i32>} : memref<128xi32, #tpu.memory_space<vmem>>, vector<16xi32>,
      %get3A_631 = arith.constant 0 : index
      %get3A_632 = tpu.vector_load %arg11[%get3A_631] {strides = array<i32>} : memref<128xi32, #tpu.memory_space<vmem>>, vector<16xi32>,
      %mul3A_633 = arith.constant 4096 : i32
      %mul3A_634 = vector.broadcast %mul3A_633 : i32 to vector<16xi32>
      %mul3A_635 = arith.muli %get3A_628, %mul3A_634 : vector<16xi32>
      %mul3A_636 = arith.constant 64 : i32
      %mul3A_637 = vector.broadcast %mul3A_636 : i32 to vector<16xi32>
      %mul3A_638 = arith.muli %get3A_632, %mul3A_637 : vector<16xi32>
      %add3A_639 = arith.addi %mul3A_635, %mul3A_638 : vector<16xi32>
      %add3A_640 = arith.addi %add3A_639, %get3A_630 : vector<16xi32>
      %swap3A_641 = arith.constant 0 : index
      %swap3A_642 = tpu.vector_load %arg13[%swap3A_641] {strides = array<i32>} : memref<128xi32, #tpu.memory_space<vmem>>, vector<16xi32>,
      tpu.vector_store %arg13[%swap3A_641], %add3A_640 {strides = array<i32>} : memref<128xi32, #tpu.memory_space<vmem>>, vector<16xi32>,
      %get3A_643 = arith.constant 16 : index
      %get3A_644 = tpu.vector_load %arg7[%get3A_643] {strides = array<i32>} : memref<128xi32, #tpu.memory_space<vmem>>, vector<16xi32>,
      %get3A_645 = arith.constant 16 : index
      %get3A_646 = tpu.vector_load %arg9[%get3A_645] {strides = array<i32>} : memref<128xi32, #tpu.memory_space<vmem>>, vector<16xi32>,
      %get3A_647 = arith.constant 16 : index
      %get3A_648 = tpu.vector_load %arg11[%get3A_647] {strides = array<i32>} : memref<128xi32, #tpu.memory_space<vmem>>, vector<16xi32>,
      %mul3A_649 = arith.constant 4096 : i32
      %mul3A_650 = vector.broadcast %mul3A_649 : i32 to vector<16xi32>
      %mul3A_651 = arith.muli %get3A_644, %mul3A_650 : vector<16xi32>
      %mul3A_652 = arith.constant 64 : i32
      %mul3A_653 = vector.broadcast %mul3A_652 : i32 to vector<16xi32>
      %mul3A_654 = arith.muli %get3A_648, %mul3A_653 : vector<16xi32>
      %add3A_655 = arith.addi %mul3A_651, %mul3A_654 : vector<16xi32>
      %add3A_656 = arith.addi %add3A_655, %get3A_646 : vector<16xi32>
      %swap3A_657 = arith.constant 16 : index
      %swap3A_658 = tpu.vector_load %arg13[%swap3A_657] {strides = array<i32>} : memref<128xi32, #tpu.memory_space<vmem>>, vector<16xi32>,
      tpu.vector_store %arg13[%swap3A_657], %add3A_656 {strides = array<i32>} : memref<128xi32, #tpu.memory_space<vmem>>, vector<16xi32>,
      %get3A_659 = arith.constant 32 : index
      %get3A_660 = tpu.vector_load %arg7[%get3A_659] {strides = array<i32>} : memref<128xi32, #tpu.memory_space<vmem>>, vector<16xi32>,
      %get3A_661 = arith.constant 32 : index
      %get3A_662 = tpu.vector_load %arg9[%get3A_661] {strides = array<i32>} : memref<128xi32, #tpu.memory_space<vmem>>, vector<16xi32>,
      %get3A_663 = arith.constant 32 : index
      %get3A_664 = tpu.vector_load %arg11[%get3A_663] {strides = array<i32>} : memref<128xi32, #tpu.memory_space<vmem>>, vector<16xi32>,
      %mul3A_665 = arith.constant 4096 : i32
      %mul3A_666 = vector.broadcast %mul3A_665 : i32 to vector<16xi32>
      %mul3A_667 = arith.muli %get3A_660, %mul3A_666 : vector<16xi32>
      %mul3A_668 = arith.constant 64 : i32
      %mul3A_669 = vector.broadcast %mul3A_668 : i32 to vector<16xi32>
      %mul3A_670 = arith.muli %get3A_664, %mul3A_669 : vector<16xi32>
      %add3A_671 = arith.addi %mul3A_667, %mul3A_670 : vector<16xi32>
      %add3A_672 = arith.addi %add3A_671, %get3A_662 : vector<16xi32>
      %swap3A_673 = arith.constant 32 : index
      %swap3A_674 = tpu.vector_load %arg13[%swap3A_673] {strides = array<i32>} : memref<128xi32, #tpu.memory_space<vmem>>, vector<16xi32>,
      tpu.vector_store %arg13[%swap3A_673], %add3A_672 {strides = array<i32>} : memref<128xi32, #tpu.memory_space<vmem>>, vector<16xi32>,
      %get3A_675 = arith.constant 48 : index
      %get3A_676 = tpu.vector_load %arg7[%get3A_675] {strides = array<i32>} : memref<128xi32, #tpu.memory_space<vmem>>, vector<16xi32>,
      %get3A_677 = arith.constant 48 : index
      %get3A_678 = tpu.vector_load %arg9[%get3A_677] {strides = array<i32>} : memref<128xi32, #tpu.memory_space<vmem>>, vector<16xi32>,
      %get3A_679 = arith.constant 48 : index
      %get3A_680 = tpu.vector_load %arg11[%get3A_679] {strides = array<i32>} : memref<128xi32, #tpu.memory_space<vmem>>, vector<16xi32>,
      %mul3A_681 = arith.constant 4096 : i32
      %mul3A_682 = vector.broadcast %mul3A_681 : i32 to vector<16xi32>
      %mul3A_683 = arith.muli %get3A_676, %mul3A_682 : vector<16xi32>
      %mul3A_684 = arith.constant 64 : i32
      %mul3A_685 = vector.broadcast %mul3A_684 : i32 to vector<16xi32>
      %mul3A_686 = arith.muli %get3A_680, %mul3A_685 : vector<16xi32>
      %add3A_687 = arith.addi %mul3A_683, %mul3A_686 : vector<16xi32>
      %add3A_688 = arith.addi %add3A_687, %get3A_678 : vector<16xi32>
      %swap3A_689 = arith.constant 48 : index
      %swap3A_690 = tpu.vector_load %arg13[%swap3A_689] {strides = array<i32>} : memref<128xi32, #tpu.memory_space<vmem>>, vector<16xi32>,
      tpu.vector_store %arg13[%swap3A_689], %add3A_688 {strides = array<i32>} : memref<128xi32, #tpu.memory_space<vmem>>, vector<16xi32>,
      %get3A_691 = arith.constant 64 : index
      %get3A_692 = tpu.vector_load %arg7[%get3A_691] {strides = array<i32>} : memref<128xi32, #tpu.memory_space<vmem>>, vector<16xi32>,
      %get3A_693 = arith.constant 64 : index
      %get3A_694 = tpu.vector_load %arg9[%get3A_693] {strides = array<i32>} : memref<128xi32, #tpu.memory_space<vmem>>, vector<16xi32>,
      %get3A_695 = arith.constant 64 : index
      %get3A_696 = tpu.vector_load %arg11[%get3A_695] {strides = array<i32>} : memref<128xi32, #tpu.memory_space<vmem>>, vector<16xi32>,
      %mul3A_697 = arith.constant 4096 : i32
      %mul3A_698 = vector.broadcast %mul3A_697 : i32 to vector<16xi32>
      %mul3A_699 = arith.muli %get3A_692, %mul3A_698 : vector<16xi32>
      %mul3A_700 = arith.constant 64 : i32
      %mul3A_701 = vector.broadcast %mul3A_700 : i32 to vector<16xi32>
      %mul3A_702 = arith.muli %get3A_696, %mul3A_701 : vector<16xi32>
      %add3A_703 = arith.addi %mul3A_699, %mul3A_702 : vector<16xi32>
      %add3A_704 = arith.addi %add3A_703, %get3A_694 : vector<16xi32>
      %swap3A_705 = arith.constant 64 : index
      %swap3A_706 = tpu.vector_load %arg13[%swap3A_705] {strides = array<i32>} : memref<128xi32, #tpu.memory_space<vmem>>, vector<16xi32>,
      tpu.vector_store %arg13[%swap3A_705], %add3A_704 {strides = array<i32>} : memref<128xi32, #tpu.memory_space<vmem>>, vector<16xi32>,
      %get3A_707 = arith.constant 80 : index
      %get3A_708 = tpu.vector_load %arg7[%get3A_707] {strides = array<i32>} : memref<128xi32, #tpu.memory_space<vmem>>, vector<16xi32>,
      %get3A_709 = arith.constant 80 : index
      %get3A_710 = tpu.vector_load %arg9[%get3A_709] {strides = array<i32>} : memref<128xi32, #tpu.memory_space<vmem>>, vector<16xi32>,
      %get3A_711 = arith.constant 80 : index
      %get3A_712 = tpu.vector_load %arg11[%get3A_711] {strides = array<i32>} : memref<128xi32, #tpu.memory_space<vmem>>, vector<16xi32>,
      %mul3A_713 = arith.constant 4096 : i32
      %mul3A_714 = vector.broadcast %mul3A_713 : i32 to vector<16xi32>
      %mul3A_715 = arith.muli %get3A_708, %mul3A_714 : vector<16xi32>
      %mul3A_716 = arith.constant 64 : i32
      %mul3A_717 = vector.broadcast %mul3A_716 : i32 to vector<16xi32>
      %mul3A_718 = arith.muli %get3A_712, %mul3A_717 : vector<16xi32>
      %add3A_719 = arith.addi %mul3A_715, %mul3A_718 : vector<16xi32>
      %add3A_720 = arith.addi %add3A_719, %get3A_710 : vector<16xi32>
      %swap3A_721 = arith.constant 80 : index
      %swap3A_722 = tpu.vector_load %arg13[%swap3A_721] {strides = array<i32>} : memref<128xi32, #tpu.memory_space<vmem>>, vector<16xi32>,
      tpu.vector_store %arg13[%swap3A_721], %add3A_720 {strides = array<i32>} : memref<128xi32, #tpu.memory_space<vmem>>, vector<16xi32>,
      %get3A_723 = arith.constant 96 : index
      %get3A_724 = tpu.vector_load %arg7[%get3A_723] {strides = array<i32>} : memref<128xi32, #tpu.memory_space<vmem>>, vector<16xi32>,
      %get3A_725 = arith.constant 96 : index
      %get3A_726 = tpu.vector_load %arg9[%get3A_725] {strides = array<i32>} : memref<128xi32, #tpu.memory_space<vmem>>, vector<16xi32>,
      %get3A_727 = arith.constant 96 : index
      %get3A_728 = tpu.vector_load %arg11[%get3A_727] {strides = array<i32>} : memref<128xi32, #tpu.memory_space<vmem>>, vector<16xi32>,
      %mul3A_729 = arith.constant 4096 : i32
      %mul3A_730 = vector.broadcast %mul3A_729 : i32 to vector<16xi32>
      %mul3A_731 = arith.muli %get3A_724, %mul3A_730 : vector<16xi32>
      %mul3A_732 = arith.constant 64 : i32
      %mul3A_733 = vector.broadcast %mul3A_732 : i32 to vector<16xi32>
      %mul3A_734 = arith.muli %get3A_728, %mul3A_733 : vector<16xi32>
      %add3A_735 = arith.addi %mul3A_731, %mul3A_734 : vector<16xi32>
      %add3A_736 = arith.addi %add3A_735, %get3A_726 : vector<16xi32>
      %swap3A_737 = arith.constant 96 : index
      %swap3A_738 = tpu.vector_load %arg13[%swap3A_737] {strides = array<i32>} : memref<128xi32, #tpu.memory_space<vmem>>, vector<16xi32>,
      tpu.vector_store %arg13[%swap3A_737], %add3A_736 {strides = array<i32>} : memref<128xi32, #tpu.memory_space<vmem>>, vector<16xi32>,
      %get3A_739 = arith.constant 112 : index
      %get3A_740 = tpu.vector_load %arg7[%get3A_739] {strides = array<i32>} : memref<128xi32, #tpu.memory_space<vmem>>, vector<16xi32>,
      %get3A_741 = arith.constant 112 : index
      %get3A_742 = tpu.vector_load %arg9[%get3A_741] {strides = array<i32>} : memref<128xi32, #tpu.memory_space<vmem>>, vector<16xi32>,
      %get3A_743 = arith.constant 112 : index
      %get3A_744 = tpu.vector_load %arg11[%get3A_743] {strides = array<i32>} : memref<128xi32, #tpu.memory_space<vmem>>, vector<16xi32>,
      %mul3A_745 = arith.constant 4096 : i32
      %mul3A_746 = vector.broadcast %mul3A_745 : i32 to vector<16xi32>
      %mul3A_747 = arith.muli %get3A_740, %mul3A_746 : vector<16xi32>
      %mul3A_748 = arith.constant 64 : i32
      %mul3A_749 = vector.broadcast %mul3A_748 : i32 to vector<16xi32>
      %mul3A_750 = arith.muli %get3A_744, %mul3A_749 : vector<16xi32>
      %add3A_751 = arith.addi %mul3A_747, %mul3A_750 : vector<16xi32>
      %add3A_752 = arith.addi %add3A_751, %get3A_742 : vector<16xi32>
      %swap3A_753 = arith.constant 112 : index
      %swap3A_754 = tpu.vector_load %arg13[%swap3A_753] {strides = array<i32>} : memref<128xi32, #tpu.memory_space<vmem>>, vector<16xi32>,
      tpu.vector_store %arg13[%swap3A_753], %add3A_752 {strides = array<i32>} : memref<128xi32, #tpu.memory_space<vmem>>, vector<16xi32>,
      %add3A_755 = arith.constant 2 : i32
      %add3A_756 = arith.addi %mul3A_614, %add3A_755 : i32
      %mul3A_757 = arith.constant 32 : i32
      %mul3A_758 = arith.muli %add3A_756, %mul3A_757 : i32
      %add3A_759 = arith.addi %add3A, %mul3A_758 : i32
      %min3A_760 = arith.constant 1562 : i32
      %min3A_761 = arith.minsi %add3A_759, %min3A_760 : i32
      %mul3A_762 = arith.constant 128 : i32
      %mul3A_763 = arith.muli %min3A_761, %mul3A_762 : i32
      %min3A_764 = arith.constant 199872 : i32
      %min3A_765 = arith.minsi %mul3A_763, %min3A_764 : i32
      %dma_start3A_766 = tpu.memref_slice %arg3[%min3A_765] : memref<200000xi32, #tpu.memory_space<hbm>> -> memref<128xi32, #tpu.memory_space<hbm>>
      %dma_start3A_767 = tpu.memref_slice %arg3[%min3A_765] : memref<200000xi32, #tpu.memory_space<hbm>> -> memref<128xi32, #tpu.memory_space<hbm>>
      tpu.enqueue_dma source(%dma_start3A_767 : memref<128xi32, #tpu.memory_space<hbm>>) target(%arg7 : memref<128xi32, #tpu.memory_space<vmem>>) target_semaphore(%arg17 : memref<!tpu.dma_semaphore, #tpu.memory_space<semaphore_mem>>)
      %dma_start3A_768 = tpu.memref_slice %arg4[%min3A_765] : memref<200000xi32, #tpu.memory_space<hbm>> -> memref<128xi32, #tpu.memory_space<hbm>>
      %dma_start3A_769 = tpu.memref_slice %arg4[%min3A_765] : memref<200000xi32, #tpu.memory_space<hbm>> -> memref<128xi32, #tpu.memory_space<hbm>>
      tpu.enqueue_dma source(%dma_start3A_769 : memref<128xi32, #tpu.memory_space<hbm>>) target(%arg9 : memref<128xi32, #tpu.memory_space<vmem>>) target_semaphore(%arg17 : memref<!tpu.dma_semaphore, #tpu.memory_space<semaphore_mem>>)
      %dma_start3A_770 = tpu.memref_slice %arg5[%min3A_765] : memref<200000xi32, #tpu.memory_space<hbm>> -> memref<128xi32, #tpu.memory_space<hbm>>
      %dma_start3A_771 = tpu.memref_slice %arg5[%min3A_765] : memref<200000xi32, #tpu.memory_space<hbm>> -> memref<128xi32, #tpu.memory_space<hbm>>
      tpu.enqueue_dma source(%dma_start3A_771 : memref<128xi32, #tpu.memory_space<hbm>>) target(%arg11 : memref<128xi32, #tpu.memory_space<vmem>>) target_semaphore(%arg17 : memref<!tpu.dma_semaphore, #tpu.memory_space<semaphore_mem>>)
      %dma_wait3A_772 = arith.constant 0 : i32
      %dma_wait3A_773 = arith.constant 0 : i32
      %dma_wait3A_774 = tpu.memref_slice %arg6[%dma_wait3A_772, %dma_wait3A_773] : memref<200000x256xf32, #tpu.memory_space<hbm>> -> memref<128x256xf32, #tpu.memory_space<hbm>>
      %dma_wait3A_775 = arith.constant 0 : i32
      %dma_wait3A_776 = arith.constant 0 : i32
      %dma_wait3A_777 = tpu.memref_slice %arg6[%dma_wait3A_775, %dma_wait3A_776] : memref<200000x256xf32, #tpu.memory_space<hbm>> -> memref<128x256xf32, #tpu.memory_space<hbm>>
      tpu.wait_dma2 semaphore(%arg21 : memref<!tpu.dma_semaphore, #tpu.memory_space<semaphore_mem>>) src(%arg15 : memref<128x256xf32, #tpu.memory_space<vmem>>) dst(%dma_wait3A_777 : memref<128x256xf32, #tpu.memory_space<hbm>>)
      %dma_start3A_778 = arith.constant 0 : i32
      %dma_start3A_779 = arith.constant 0 : i32
      %dma_start3A_780 = tpu.memref_slice %arg2[%dma_start3A_778, %dma_start3A_779] : memref<65536x256xf32, #tpu.memory_space<hbm>> -> memref<65536x256xf32, #tpu.memory_space<hbm>>
      tpu.enqueue_indirect_dma source(%dma_start3A_780 : memref<65536x256xf32, #tpu.memory_space<hbm>>) target(%arg15 : memref<128x256xf32, #tpu.memory_space<vmem>>) offsets(%arg13 : memref<128xi32, #tpu.memory_space<vmem>>) semaphore(%arg19 : memref<!tpu.dma_semaphore, #tpu.memory_space<semaphore_mem>>)
      %dma_wait3A_781 = arith.constant 0 : i32
      %dma_wait3A_782 = arith.constant 0 : i32
      %dma_wait3A_783 = tpu.memref_slice %arg2[%dma_wait3A_781, %dma_wait3A_782] : memref<65536x256xf32, #tpu.memory_space<hbm>> -> memref<65536x256xf32, #tpu.memory_space<hbm>>
      tpu.wait_indirect_dma semaphore(%arg20 : memref<!tpu.dma_semaphore, #tpu.memory_space<semaphore_mem>>) src(%dma_wait3A_783 : memref<65536x256xf32, #tpu.memory_space<hbm>>) dst(%arg16 : memref<128x256xf32, #tpu.memory_space<vmem>>)
      %sub3A_784 = arith.constant 1 : i32
      %sub3A_785 = arith.subi %mul3A_614, %sub3A_784 : i32
      %mul3A_786 = arith.constant 32 : i32
      %mul3A_787 = arith.muli %sub3A_785, %mul3A_786 : i32
      %add3A_788 = arith.addi %add3A, %mul3A_787 : i32
      %min3A_789 = arith.constant 1562 : i32
      %min3A_790 = arith.minsi %add3A_788, %min3A_789 : i32
      %mul3A_791 = arith.constant 128 : i32
      %mul3A_792 = arith.muli %min3A_790, %mul3A_791 : i32
      %min3A_793 = arith.constant 199872 : i32
      %min3A_794 = arith.minsi %mul3A_792, %min3A_793 : i32
      %dma_start3A_795 = arith.constant 0 : i32
      %dma_start3A_796 = tpu.memref_slice %arg6[%min3A_794, %dma_start3A_795] : memref<200000x256xf32, #tpu.memory_space<hbm>> -> memref<128x256xf32, #tpu.memory_space<hbm>>
      %dma_start3A_797 = arith.constant 0 : i32
      %dma_start3A_798 = tpu.memref_slice %arg6[%min3A_794, %dma_start3A_797] : memref<200000x256xf32, #tpu.memory_space<hbm>> -> memref<128x256xf32, #tpu.memory_space<hbm>>
      tpu.enqueue_dma source(%arg16 : memref<128x256xf32, #tpu.memory_space<vmem>>) target(%dma_start3A_798 : memref<128x256xf32, #tpu.memory_space<hbm>>) target_semaphore(%arg22 : memref<!tpu.dma_semaphore, #tpu.memory_space<semaphore_mem>>)
      %add3A_799 = arith.constant 1 : i32
      %add3A_800 = arith.addi %mul3A_614, %add3A_799 : i32
      %dma_wait3A_801 = arith.constant 0 : i32
      %dma_wait3A_802 = tpu.memref_slice %arg3[%dma_wait3A_801] : memref<200000xi32, #tpu.memory_space<hbm>> -> memref<128xi32, #tpu.memory_space<hbm>>
      %dma_wait3A_803 = arith.constant 0 : i32
      %dma_wait3A_804 = tpu.memref_slice %arg3[%dma_wait3A_803] : memref<200000xi32, #tpu.memory_space<hbm>> -> memref<128xi32, #tpu.memory_space<hbm>>
      tpu.wait_dma2 semaphore(%arg18 : memref<!tpu.dma_semaphore, #tpu.memory_space<semaphore_mem>>) src(%dma_wait3A_804 : memref<128xi32, #tpu.memory_space<hbm>>) dst(%arg8 : memref<128xi32, #tpu.memory_space<vmem>>)
      %dma_wait3A_805 = arith.constant 0 : i32
      %dma_wait3A_806 = tpu.memref_slice %arg3[%dma_wait3A_805] : memref<200000xi32, #tpu.memory_space<hbm>> -> memref<128xi32, #tpu.memory_space<hbm>>
      %dma_wait3A_807 = arith.constant 0 : i32
      %dma_wait3A_808 = tpu.memref_slice %arg3[%dma_wait3A_807] : memref<200000xi32, #tpu.memory_space<hbm>> -> memref<128xi32, #tpu.memory_space<hbm>>
      tpu.wait_dma2 semaphore(%arg18 : memref<!tpu.dma_semaphore, #tpu.memory_space<semaphore_mem>>) src(%dma_wait3A_808 : memref<128xi32, #tpu.memory_space<hbm>>) dst(%arg10 : memref<128xi32, #tpu.memory_space<vmem>>)
      %dma_wait3A_809 = arith.constant 0 : i32
      %dma_wait3A_810 = tpu.memref_slice %arg3[%dma_wait3A_809] : memref<200000xi32, #tpu.memory_space<hbm>> -> memref<128xi32, #tpu.memory_space<hbm>>
      %dma_wait3A_811 = arith.constant 0 : i32
      %dma_wait3A_812 = tpu.memref_slice %arg3[%dma_wait3A_811] : memref<200000xi32, #tpu.memory_space<hbm>> -> memref<128xi32, #tpu.memory_space<hbm>>
      tpu.wait_dma2 semaphore(%arg18 : memref<!tpu.dma_semaphore, #tpu.memory_space<semaphore_mem>>) src(%dma_wait3A_812 : memref<128xi32, #tpu.memory_space<hbm>>) dst(%arg12 : memref<128xi32, #tpu.memory_space<vmem>>)
      %get3A_813 = arith.constant 0 : index
      %get3A_814 = tpu.vector_load %arg8[%get3A_813] {strides = array<i32>} : memref<128xi32, #tpu.memory_space<vmem>>, vector<16xi32>,
      %get3A_815 = arith.constant 0 : index
      %get3A_816 = tpu.vector_load %arg10[%get3A_815] {strides = array<i32>} : memref<128xi32, #tpu.memory_space<vmem>>, vector<16xi32>,
      %get3A_817 = arith.constant 0 : index
      %get3A_818 = tpu.vector_load %arg12[%get3A_817] {strides = array<i32>} : memref<128xi32, #tpu.memory_space<vmem>>, vector<16xi32>,
      %mul3A_819 = arith.constant 4096 : i32
      %mul3A_820 = vector.broadcast %mul3A_819 : i32 to vector<16xi32>
      %mul3A_821 = arith.muli %get3A_814, %mul3A_820 : vector<16xi32>
      %mul3A_822 = arith.constant 64 : i32
      %mul3A_823 = vector.broadcast %mul3A_822 : i32 to vector<16xi32>
      %mul3A_824 = arith.muli %get3A_818, %mul3A_823 : vector<16xi32>
      %add3A_825 = arith.addi %mul3A_821, %mul3A_824 : vector<16xi32>
      %add3A_826 = arith.addi %add3A_825, %get3A_816 : vector<16xi32>
      %swap3A_827 = arith.constant 0 : index
      %swap3A_828 = tpu.vector_load %arg14[%swap3A_827] {strides = array<i32>} : memref<128xi32, #tpu.memory_space<vmem>>, vector<16xi32>,
      tpu.vector_store %arg14[%swap3A_827], %add3A_826 {strides = array<i32>} : memref<128xi32, #tpu.memory_space<vmem>>, vector<16xi32>,
      %get3A_829 = arith.constant 16 : index
      %get3A_830 = tpu.vector_load %arg8[%get3A_829] {strides = array<i32>} : memref<128xi32, #tpu.memory_space<vmem>>, vector<16xi32>,
      %get3A_831 = arith.constant 16 : index
      %get3A_832 = tpu.vector_load %arg10[%get3A_831] {strides = array<i32>} : memref<128xi32, #tpu.memory_space<vmem>>, vector<16xi32>,
      %get3A_833 = arith.constant 16 : index
      %get3A_834 = tpu.vector_load %arg12[%get3A_833] {strides = array<i32>} : memref<128xi32, #tpu.memory_space<vmem>>, vector<16xi32>,
      %mul3A_835 = arith.constant 4096 : i32
      %mul3A_836 = vector.broadcast %mul3A_835 : i32 to vector<16xi32>
      %mul3A_837 = arith.muli %get3A_830, %mul3A_836 : vector<16xi32>
      %mul3A_838 = arith.constant 64 : i32
      %mul3A_839 = vector.broadcast %mul3A_838 : i32 to vector<16xi32>
      %mul3A_840 = arith.muli %get3A_834, %mul3A_839 : vector<16xi32>
      %add3A_841 = arith.addi %mul3A_837, %mul3A_840 : vector<16xi32>
      %add3A_842 = arith.addi %add3A_841, %get3A_832 : vector<16xi32>
      %swap3A_843 = arith.constant 16 : index
      %swap3A_844 = tpu.vector_load %arg14[%swap3A_843] {strides = array<i32>} : memref<128xi32, #tpu.memory_space<vmem>>, vector<16xi32>,
      tpu.vector_store %arg14[%swap3A_843], %add3A_842 {strides = array<i32>} : memref<128xi32, #tpu.memory_space<vmem>>, vector<16xi32>,
      %get3A_845 = arith.constant 32 : index
      %get3A_846 = tpu.vector_load %arg8[%get3A_845] {strides = array<i32>} : memref<128xi32, #tpu.memory_space<vmem>>, vector<16xi32>,
      %get3A_847 = arith.constant 32 : index
      %get3A_848 = tpu.vector_load %arg10[%get3A_847] {strides = array<i32>} : memref<128xi32, #tpu.memory_space<vmem>>, vector<16xi32>,
      %get3A_849 = arith.constant 32 : index
      %get3A_850 = tpu.vector_load %arg12[%get3A_849] {strides = array<i32>} : memref<128xi32, #tpu.memory_space<vmem>>, vector<16xi32>,
      %mul3A_851 = arith.constant 4096 : i32
      %mul3A_852 = vector.broadcast %mul3A_851 : i32 to vector<16xi32>
      %mul3A_853 = arith.muli %get3A_846, %mul3A_852 : vector<16xi32>
      %mul3A_854 = arith.constant 64 : i32
      %mul3A_855 = vector.broadcast %mul3A_854 : i32 to vector<16xi32>
      %mul3A_856 = arith.muli %get3A_850, %mul3A_855 : vector<16xi32>
      %add3A_857 = arith.addi %mul3A_853, %mul3A_856 : vector<16xi32>
      %add3A_858 = arith.addi %add3A_857, %get3A_848 : vector<16xi32>
      %swap3A_859 = arith.constant 32 : index
      %swap3A_860 = tpu.vector_load %arg14[%swap3A_859] {strides = array<i32>} : memref<128xi32, #tpu.memory_space<vmem>>, vector<16xi32>,
      tpu.vector_store %arg14[%swap3A_859], %add3A_858 {strides = array<i32>} : memref<128xi32, #tpu.memory_space<vmem>>, vector<16xi32>,
      %get3A_861 = arith.constant 48 : index
      %get3A_862 = tpu.vector_load %arg8[%get3A_861] {strides = array<i32>} : memref<128xi32, #tpu.memory_space<vmem>>, vector<16xi32>,
      %get3A_863 = arith.constant 48 : index
      %get3A_864 = tpu.vector_load %arg10[%get3A_863] {strides = array<i32>} : memref<128xi32, #tpu.memory_space<vmem>>, vector<16xi32>,
      %get3A_865 = arith.constant 48 : index
      %get3A_866 = tpu.vector_load %arg12[%get3A_865] {strides = array<i32>} : memref<128xi32, #tpu.memory_space<vmem>>, vector<16xi32>,
      %mul3A_867 = arith.constant 4096 : i32
      %mul3A_868 = vector.broadcast %mul3A_867 : i32 to vector<16xi32>
      %mul3A_869 = arith.muli %get3A_862, %mul3A_868 : vector<16xi32>
      %mul3A_870 = arith.constant 64 : i32
      %mul3A_871 = vector.broadcast %mul3A_870 : i32 to vector<16xi32>
      %mul3A_872 = arith.muli %get3A_866, %mul3A_871 : vector<16xi32>
      %add3A_873 = arith.addi %mul3A_869, %mul3A_872 : vector<16xi32>
      %add3A_874 = arith.addi %add3A_873, %get3A_864 : vector<16xi32>
      %swap3A_875 = arith.constant 48 : index
      %swap3A_876 = tpu.vector_load %arg14[%swap3A_875] {strides = array<i32>} : memref<128xi32, #tpu.memory_space<vmem>>, vector<16xi32>,
      tpu.vector_store %arg14[%swap3A_875], %add3A_874 {strides = array<i32>} : memref<128xi32, #tpu.memory_space<vmem>>, vector<16xi32>,
      %get3A_877 = arith.constant 64 : index
      %get3A_878 = tpu.vector_load %arg8[%get3A_877] {strides = array<i32>} : memref<128xi32, #tpu.memory_space<vmem>>, vector<16xi32>,
      %get3A_879 = arith.constant 64 : index
      %get3A_880 = tpu.vector_load %arg10[%get3A_879] {strides = array<i32>} : memref<128xi32, #tpu.memory_space<vmem>>, vector<16xi32>,
      %get3A_881 = arith.constant 64 : index
      %get3A_882 = tpu.vector_load %arg12[%get3A_881] {strides = array<i32>} : memref<128xi32, #tpu.memory_space<vmem>>, vector<16xi32>,
      %mul3A_883 = arith.constant 4096 : i32
      %mul3A_884 = vector.broadcast %mul3A_883 : i32 to vector<16xi32>
      %mul3A_885 = arith.muli %get3A_878, %mul3A_884 : vector<16xi32>
      %mul3A_886 = arith.constant 64 : i32
      %mul3A_887 = vector.broadcast %mul3A_886 : i32 to vector<16xi32>
      %mul3A_888 = arith.muli %get3A_882, %mul3A_887 : vector<16xi32>
      %add3A_889 = arith.addi %mul3A_885, %mul3A_888 : vector<16xi32>
      %add3A_890 = arith.addi %add3A_889, %get3A_880 : vector<16xi32>
      %swap3A_891 = arith.constant 64 : index
      %swap3A_892 = tpu.vector_load %arg14[%swap3A_891] {strides = array<i32>} : memref<128xi32, #tpu.memory_space<vmem>>, vector<16xi32>,
      tpu.vector_store %arg14[%swap3A_891], %add3A_890 {strides = array<i32>} : memref<128xi32, #tpu.memory_space<vmem>>, vector<16xi32>,
      %get3A_893 = arith.constant 80 : index
      %get3A_894 = tpu.vector_load %arg8[%get3A_893] {strides = array<i32>} : memref<128xi32, #tpu.memory_space<vmem>>, vector<16xi32>,
      %get3A_895 = arith.constant 80 : index
      %get3A_896 = tpu.vector_load %arg10[%get3A_895] {strides = array<i32>} : memref<128xi32, #tpu.memory_space<vmem>>, vector<16xi32>,
      %get3A_897 = arith.constant 80 : index
      %get3A_898 = tpu.vector_load %arg12[%get3A_897] {strides = array<i32>} : memref<128xi32, #tpu.memory_space<vmem>>, vector<16xi32>,
      %mul3A_899 = arith.constant 4096 : i32
      %mul3A_900 = vector.broadcast %mul3A_899 : i32 to vector<16xi32>
      %mul3A_901 = arith.muli %get3A_894, %mul3A_900 : vector<16xi32>
      %mul3A_902 = arith.constant 64 : i32
      %mul3A_903 = vector.broadcast %mul3A_902 : i32 to vector<16xi32>
      %mul3A_904 = arith.muli %get3A_898, %mul3A_903 : vector<16xi32>
      %add3A_905 = arith.addi %mul3A_901, %mul3A_904 : vector<16xi32>
      %add3A_906 = arith.addi %add3A_905, %get3A_896 : vector<16xi32>
      %swap3A_907 = arith.constant 80 : index
      %swap3A_908 = tpu.vector_load %arg14[%swap3A_907] {strides = array<i32>} : memref<128xi32, #tpu.memory_space<vmem>>, vector<16xi32>,
      tpu.vector_store %arg14[%swap3A_907], %add3A_906 {strides = array<i32>} : memref<128xi32, #tpu.memory_space<vmem>>, vector<16xi32>,
      %get3A_909 = arith.constant 96 : index
      %get3A_910 = tpu.vector_load %arg8[%get3A_909] {strides = array<i32>} : memref<128xi32, #tpu.memory_space<vmem>>, vector<16xi32>,
      %get3A_911 = arith.constant 96 : index
      %get3A_912 = tpu.vector_load %arg10[%get3A_911] {strides = array<i32>} : memref<128xi32, #tpu.memory_space<vmem>>, vector<16xi32>,
      %get3A_913 = arith.constant 96 : index
      %get3A_914 = tpu.vector_load %arg12[%get3A_913] {strides = array<i32>} : memref<128xi32, #tpu.memory_space<vmem>>, vector<16xi32>,
      %mul3A_915 = arith.constant 4096 : i32
      %mul3A_916 = vector.broadcast %mul3A_915 : i32 to vector<16xi32>
      %mul3A_917 = arith.muli %get3A_910, %mul3A_916 : vector<16xi32>
      %mul3A_918 = arith.constant 64 : i32
      %mul3A_919 = vector.broadcast %mul3A_918 : i32 to vector<16xi32>
      %mul3A_920 = arith.muli %get3A_914, %mul3A_919 : vector<16xi32>
      %add3A_921 = arith.addi %mul3A_917, %mul3A_920 : vector<16xi32>
      %add3A_922 = arith.addi %add3A_921, %get3A_912 : vector<16xi32>
      %swap3A_923 = arith.constant 96 : index
      %swap3A_924 = tpu.vector_load %arg14[%swap3A_923] {strides = array<i32>} : memref<128xi32, #tpu.memory_space<vmem>>, vector<16xi32>,
      tpu.vector_store %arg14[%swap3A_923], %add3A_922 {strides = array<i32>} : memref<128xi32, #tpu.memory_space<vmem>>, vector<16xi32>,
      %get3A_925 = arith.constant 112 : index
      %get3A_926 = tpu.vector_load %arg8[%get3A_925] {strides = array<i32>} : memref<128xi32, #tpu.memory_space<vmem>>, vector<16xi32>,
      %get3A_927 = arith.constant 112 : index
      %get3A_928 = tpu.vector_load %arg10[%get3A_927] {strides = array<i32>} : memref<128xi32, #tpu.memory_space<vmem>>, vector<16xi32>,
      %get3A_929 = arith.constant 112 : index
      %get3A_930 = tpu.vector_load %arg12[%get3A_929] {strides = array<i32>} : memref<128xi32, #tpu.memory_space<vmem>>, vector<16xi32>,
      %mul3A_931 = arith.constant 4096 : i32
      %mul3A_932 = vector.broadcast %mul3A_931 : i32 to vector<16xi32>
      %mul3A_933 = arith.muli %get3A_926, %mul3A_932 : vector<16xi32>
      %mul3A_934 = arith.constant 64 : i32
      %mul3A_935 = vector.broadcast %mul3A_934 : i32 to vector<16xi32>
      %mul3A_936 = arith.muli %get3A_930, %mul3A_935 : vector<16xi32>
      %add3A_937 = arith.addi %mul3A_933, %mul3A_936 : vector<16xi32>
      %add3A_938 = arith.addi %add3A_937, %get3A_928 : vector<16xi32>
      %swap3A_939 = arith.constant 112 : index
      %swap3A_940 = tpu.vector_load %arg14[%swap3A_939] {strides = array<i32>} : memref<128xi32, #tpu.memory_space<vmem>>, vector<16xi32>,
      tpu.vector_store %arg14[%swap3A_939], %add3A_938 {strides = array<i32>} : memref<128xi32, #tpu.memory_space<vmem>>, vector<16xi32>,
      %add3A_941 = arith.constant 2 : i32
      %add3A_942 = arith.addi %add3A_800, %add3A_941 : i32
      %mul3A_943 = arith.constant 32 : i32
      %mul3A_944 = arith.muli %add3A_942, %mul3A_943 : i32
      %add3A_945 = arith.addi %add3A, %mul3A_944 : i32
      %min3A_946 = arith.constant 1562 : i32
      %min3A_947 = arith.minsi %add3A_945, %min3A_946 : i32
      %mul3A_948 = arith.constant 128 : i32
      %mul3A_949 = arith.muli %min3A_947, %mul3A_948 : i32
      %min3A_950 = arith.constant 199872 : i32
      %min3A_951 = arith.minsi %mul3A_949, %min3A_950 : i32
      %dma_start3A_952 = tpu.memref_slice %arg3[%min3A_951] : memref<200000xi32, #tpu.memory_space<hbm>> -> memref<128xi32, #tpu.memory_space<hbm>>
      %dma_start3A_953 = tpu.memref_slice %arg3[%min3A_951] : memref<200000xi32, #tpu.memory_space<hbm>> -> memref<128xi32, #tpu.memory_space<hbm>>
      tpu.enqueue_dma source(%dma_start3A_953 : memref<128xi32, #tpu.memory_space<hbm>>) target(%arg8 : memref<128xi32, #tpu.memory_space<vmem>>) target_semaphore(%arg18 : memref<!tpu.dma_semaphore, #tpu.memory_space<semaphore_mem>>)
      %dma_start3A_954 = tpu.memref_slice %arg4[%min3A_951] : memref<200000xi32, #tpu.memory_space<hbm>> -> memref<128xi32, #tpu.memory_space<hbm>>
      %dma_start3A_955 = tpu.memref_slice %arg4[%min3A_951] : memref<200000xi32, #tpu.memory_space<hbm>> -> memref<128xi32, #tpu.memory_space<hbm>>
      tpu.enqueue_dma source(%dma_start3A_955 : memref<128xi32, #tpu.memory_space<hbm>>) target(%arg10 : memref<128xi32, #tpu.memory_space<vmem>>) target_semaphore(%arg18 : memref<!tpu.dma_semaphore, #tpu.memory_space<semaphore_mem>>)
      %dma_start3A_956 = tpu.memref_slice %arg5[%min3A_951] : memref<200000xi32, #tpu.memory_space<hbm>> -> memref<128xi32, #tpu.memory_space<hbm>>
      %dma_start3A_957 = tpu.memref_slice %arg5[%min3A_951] : memref<200000xi32, #tpu.memory_space<hbm>> -> memref<128xi32, #tpu.memory_space<hbm>>
      tpu.enqueue_dma source(%dma_start3A_957 : memref<128xi32, #tpu.memory_space<hbm>>) target(%arg12 : memref<128xi32, #tpu.memory_space<vmem>>) target_semaphore(%arg18 : memref<!tpu.dma_semaphore, #tpu.memory_space<semaphore_mem>>)
      %dma_wait3A_958 = arith.constant 0 : i32
      %dma_wait3A_959 = arith.constant 0 : i32
      %dma_wait3A_960 = tpu.memref_slice %arg6[%dma_wait3A_958, %dma_wait3A_959] : memref<200000x256xf32, #tpu.memory_space<hbm>> -> memref<128x256xf32, #tpu.memory_space<hbm>>
      %dma_wait3A_961 = arith.constant 0 : i32
      %dma_wait3A_962 = arith.constant 0 : i32
      %dma_wait3A_963 = tpu.memref_slice %arg6[%dma_wait3A_961, %dma_wait3A_962] : memref<200000x256xf32, #tpu.memory_space<hbm>> -> memref<128x256xf32, #tpu.memory_space<hbm>>
      tpu.wait_dma2 semaphore(%arg22 : memref<!tpu.dma_semaphore, #tpu.memory_space<semaphore_mem>>) src(%arg16 : memref<128x256xf32, #tpu.memory_space<vmem>>) dst(%dma_wait3A_963 : memref<128x256xf32, #tpu.memory_space<hbm>>)
      %dma_start3A_964 = arith.constant 0 : i32
      %dma_start3A_965 = arith.constant 0 : i32
      %dma_start3A_966 = tpu.memref_slice %arg2[%dma_start3A_964, %dma_start3A_965] : memref<65536x256xf32, #tpu.memory_space<hbm>> -> memref<65536x256xf32, #tpu.memory_space<hbm>>
      tpu.enqueue_indirect_dma source(%dma_start3A_966 : memref<65536x256xf32, #tpu.memory_space<hbm>>) target(%arg16 : memref<128x256xf32, #tpu.memory_space<vmem>>) offsets(%arg14 : memref<128xi32, #tpu.memory_space<vmem>>) semaphore(%arg20 : memref<!tpu.dma_semaphore, #tpu.memory_space<semaphore_mem>>)
      %dma_wait3A_967 = arith.constant 0 : i32
      %dma_wait3A_968 = arith.constant 0 : i32
      %dma_wait3A_969 = tpu.memref_slice %arg2[%dma_wait3A_967, %dma_wait3A_968] : memref<65536x256xf32, #tpu.memory_space<hbm>> -> memref<65536x256xf32, #tpu.memory_space<hbm>>
      tpu.wait_indirect_dma semaphore(%arg19 : memref<!tpu.dma_semaphore, #tpu.memory_space<semaphore_mem>>) src(%dma_wait3A_969 : memref<65536x256xf32, #tpu.memory_space<hbm>>) dst(%arg15 : memref<128x256xf32, #tpu.memory_space<vmem>>)
      %sub3A_970 = arith.constant 1 : i32
      %sub3A_971 = arith.subi %add3A_800, %sub3A_970 : i32
      %mul3A_972 = arith.constant 32 : i32
      %mul3A_973 = arith.muli %sub3A_971, %mul3A_972 : i32
      %add3A_974 = arith.addi %add3A, %mul3A_973 : i32
      %min3A_975 = arith.constant 1562 : i32
      %min3A_976 = arith.minsi %add3A_974, %min3A_975 : i32
      %mul3A_977 = arith.constant 128 : i32
      %mul3A_978 = arith.muli %min3A_976, %mul3A_977 : i32
      %min3A_979 = arith.constant 199872 : i32
      %min3A_980 = arith.minsi %mul3A_978, %min3A_979 : i32
      %dma_start3A_981 = arith.constant 0 : i32
      %dma_start3A_982 = tpu.memref_slice %arg6[%min3A_980, %dma_start3A_981] : memref<200000x256xf32, #tpu.memory_space<hbm>> -> memref<128x256xf32, #tpu.memory_space<hbm>>
      %dma_start3A_983 = arith.constant 0 : i32
      %dma_start3A_984 = tpu.memref_slice %arg6[%min3A_980, %dma_start3A_983] : memref<200000x256xf32, #tpu.memory_space<hbm>> -> memref<128x256xf32, #tpu.memory_space<hbm>>
      tpu.enqueue_dma source(%arg15 : memref<128x256xf32, #tpu.memory_space<vmem>>) target(%dma_start3A_984 : memref<128x256xf32, #tpu.memory_space<hbm>>) target_semaphore(%arg21 : memref<!tpu.dma_semaphore, #tpu.memory_space<semaphore_mem>>)
    }
    %scan3A_372 = arith.constant 23 : i32
    %dma_wait3A_373 = arith.constant 0 : i32
    %dma_wait3A_374 = tpu.memref_slice %arg3[%dma_wait3A_373] : memref<200000xi32, #tpu.memory_space<hbm>> -> memref<128xi32, #tpu.memory_space<hbm>>
    %dma_wait3A_375 = arith.constant 0 : i32
    %dma_wait3A_376 = tpu.memref_slice %arg3[%dma_wait3A_375] : memref<200000xi32, #tpu.memory_space<hbm>> -> memref<128xi32, #tpu.memory_space<hbm>>
    tpu.wait_dma2 semaphore(%arg17 : memref<!tpu.dma_semaphore, #tpu.memory_space<semaphore_mem>>) src(%dma_wait3A_376 : memref<128xi32, #tpu.memory_space<hbm>>) dst(%arg7 : memref<128xi32, #tpu.memory_space<vmem>>)
    %dma_wait3A_377 = arith.constant 0 : i32
    %dma_wait3A_378 = tpu.memref_slice %arg3[%dma_wait3A_377] : memref<200000xi32, #tpu.memory_space<hbm>> -> memref<128xi32, #tpu.memory_space<hbm>>
    %dma_wait3A_379 = arith.constant 0 : i32
    %dma_wait3A_380 = tpu.memref_slice %arg3[%dma_wait3A_379] : memref<200000xi32, #tpu.memory_space<hbm>> -> memref<128xi32, #tpu.memory_space<hbm>>
    tpu.wait_dma2 semaphore(%arg17 : memref<!tpu.dma_semaphore, #tpu.memory_space<semaphore_mem>>) src(%dma_wait3A_380 : memref<128xi32, #tpu.memory_space<hbm>>) dst(%arg9 : memref<128xi32, #tpu.memory_space<vmem>>)
    %dma_wait3A_381 = arith.constant 0 : i32
    %dma_wait3A_382 = tpu.memref_slice %arg3[%dma_wait3A_381] : memref<200000xi32, #tpu.memory_space<hbm>> -> memref<128xi32, #tpu.memory_space<hbm>>
    %dma_wait3A_383 = arith.constant 0 : i32
    %dma_wait3A_384 = tpu.memref_slice %arg3[%dma_wait3A_383] : memref<200000xi32, #tpu.memory_space<hbm>> -> memref<128xi32, #tpu.memory_space<hbm>>
    tpu.wait_dma2 semaphore(%arg17 : memref<!tpu.dma_semaphore, #tpu.memory_space<semaphore_mem>>) src(%dma_wait3A_384 : memref<128xi32, #tpu.memory_space<hbm>>) dst(%arg11 : memref<128xi32, #tpu.memory_space<vmem>>)
    %get3A_385 = arith.constant 0 : index
    %get3A_386 = tpu.vector_load %arg7[%get3A_385] {strides = array<i32>} : memref<128xi32, #tpu.memory_space<vmem>>, vector<16xi32>,
    %get3A_387 = arith.constant 0 : index
    %get3A_388 = tpu.vector_load %arg9[%get3A_387] {strides = array<i32>} : memref<128xi32, #tpu.memory_space<vmem>>, vector<16xi32>,
    %get3A_389 = arith.constant 0 : index
    %get3A_390 = tpu.vector_load %arg11[%get3A_389] {strides = array<i32>} : memref<128xi32, #tpu.memory_space<vmem>>, vector<16xi32>,
    %mul3A_391 = arith.constant 4096 : i32
    %mul3A_392 = vector.broadcast %mul3A_391 : i32 to vector<16xi32>
    %mul3A_393 = arith.muli %get3A_386, %mul3A_392 : vector<16xi32>
    %mul3A_394 = arith.constant 64 : i32
    %mul3A_395 = vector.broadcast %mul3A_394 : i32 to vector<16xi32>
    %mul3A_396 = arith.muli %get3A_390, %mul3A_395 : vector<16xi32>
    %add3A_397 = arith.addi %mul3A_393, %mul3A_396 : vector<16xi32>
    %add3A_398 = arith.addi %add3A_397, %get3A_388 : vector<16xi32>
    %swap3A_399 = arith.constant 0 : index
    %swap3A_400 = tpu.vector_load %arg13[%swap3A_399] {strides = array<i32>} : memref<128xi32, #tpu.memory_space<vmem>>, vector<16xi32>,
    tpu.vector_store %arg13[%swap3A_399], %add3A_398 {strides = array<i32>} : memref<128xi32, #tpu.memory_space<vmem>>, vector<16xi32>,
    %get3A_401 = arith.constant 16 : index
    %get3A_402 = tpu.vector_load %arg7[%get3A_401] {strides = array<i32>} : memref<128xi32, #tpu.memory_space<vmem>>, vector<16xi32>,
    %get3A_403 = arith.constant 16 : index
    %get3A_404 = tpu.vector_load %arg9[%get3A_403] {strides = array<i32>} : memref<128xi32, #tpu.memory_space<vmem>>, vector<16xi32>,
    %get3A_405 = arith.constant 16 : index
    %get3A_406 = tpu.vector_load %arg11[%get3A_405] {strides = array<i32>} : memref<128xi32, #tpu.memory_space<vmem>>, vector<16xi32>,
    %mul3A_407 = arith.constant 4096 : i32
    %mul3A_408 = vector.broadcast %mul3A_407 : i32 to vector<16xi32>
    %mul3A_409 = arith.muli %get3A_402, %mul3A_408 : vector<16xi32>
    %mul3A_410 = arith.constant 64 : i32
    %mul3A_411 = vector.broadcast %mul3A_410 : i32 to vector<16xi32>
    %mul3A_412 = arith.muli %get3A_406, %mul3A_411 : vector<16xi32>
    %add3A_413 = arith.addi %mul3A_409, %mul3A_412 : vector<16xi32>
    %add3A_414 = arith.addi %add3A_413, %get3A_404 : vector<16xi32>
    %swap3A_415 = arith.constant 16 : index
    %swap3A_416 = tpu.vector_load %arg13[%swap3A_415] {strides = array<i32>} : memref<128xi32, #tpu.memory_space<vmem>>, vector<16xi32>,
    tpu.vector_store %arg13[%swap3A_415], %add3A_414 {strides = array<i32>} : memref<128xi32, #tpu.memory_space<vmem>>, vector<16xi32>,
    %get3A_417 = arith.constant 32 : index
    %get3A_418 = tpu.vector_load %arg7[%get3A_417] {strides = array<i32>} : memref<128xi32, #tpu.memory_space<vmem>>, vector<16xi32>,
    %get3A_419 = arith.constant 32 : index
    %get3A_420 = tpu.vector_load %arg9[%get3A_419] {strides = array<i32>} : memref<128xi32, #tpu.memory_space<vmem>>, vector<16xi32>,
    %get3A_421 = arith.constant 32 : index
    %get3A_422 = tpu.vector_load %arg11[%get3A_421] {strides = array<i32>} : memref<128xi32, #tpu.memory_space<vmem>>, vector<16xi32>,
    %mul3A_423 = arith.constant 4096 : i32
    %mul3A_424 = vector.broadcast %mul3A_423 : i32 to vector<16xi32>
    %mul3A_425 = arith.muli %get3A_418, %mul3A_424 : vector<16xi32>
    %mul3A_426 = arith.constant 64 : i32
    %mul3A_427 = vector.broadcast %mul3A_426 : i32 to vector<16xi32>
    %mul3A_428 = arith.muli %get3A_422, %mul3A_427 : vector<16xi32>
    %add3A_429 = arith.addi %mul3A_425, %mul3A_428 : vector<16xi32>
    %add3A_430 = arith.addi %add3A_429, %get3A_420 : vector<16xi32>
    %swap3A_431 = arith.constant 32 : index
    %swap3A_432 = tpu.vector_load %arg13[%swap3A_431] {strides = array<i32>} : memref<128xi32, #tpu.memory_space<vmem>>, vector<16xi32>,
    tpu.vector_store %arg13[%swap3A_431], %add3A_430 {strides = array<i32>} : memref<128xi32, #tpu.memory_space<vmem>>, vector<16xi32>,
    %get3A_433 = arith.constant 48 : index
    %get3A_434 = tpu.vector_load %arg7[%get3A_433] {strides = array<i32>} : memref<128xi32, #tpu.memory_space<vmem>>, vector<16xi32>,
    %get3A_435 = arith.constant 48 : index
    %get3A_436 = tpu.vector_load %arg9[%get3A_435] {strides = array<i32>} : memref<128xi32, #tpu.memory_space<vmem>>, vector<16xi32>,
    %get3A_437 = arith.constant 48 : index
    %get3A_438 = tpu.vector_load %arg11[%get3A_437] {strides = array<i32>} : memref<128xi32, #tpu.memory_space<vmem>>, vector<16xi32>,
    %mul3A_439 = arith.constant 4096 : i32
    %mul3A_440 = vector.broadcast %mul3A_439 : i32 to vector<16xi32>
    %mul3A_441 = arith.muli %get3A_434, %mul3A_440 : vector<16xi32>
    %mul3A_442 = arith.constant 64 : i32
    %mul3A_443 = vector.broadcast %mul3A_442 : i32 to vector<16xi32>
    %mul3A_444 = arith.muli %get3A_438, %mul3A_443 : vector<16xi32>
    %add3A_445 = arith.addi %mul3A_441, %mul3A_444 : vector<16xi32>
    %add3A_446 = arith.addi %add3A_445, %get3A_436 : vector<16xi32>
    %swap3A_447 = arith.constant 48 : index
    %swap3A_448 = tpu.vector_load %arg13[%swap3A_447] {strides = array<i32>} : memref<128xi32, #tpu.memory_space<vmem>>, vector<16xi32>,
    tpu.vector_store %arg13[%swap3A_447], %add3A_446 {strides = array<i32>} : memref<128xi32, #tpu.memory_space<vmem>>, vector<16xi32>,
    %get3A_449 = arith.constant 64 : index
    %get3A_450 = tpu.vector_load %arg7[%get3A_449] {strides = array<i32>} : memref<128xi32, #tpu.memory_space<vmem>>, vector<16xi32>,
    %get3A_451 = arith.constant 64 : index
    %get3A_452 = tpu.vector_load %arg9[%get3A_451] {strides = array<i32>} : memref<128xi32, #tpu.memory_space<vmem>>, vector<16xi32>,
    %get3A_453 = arith.constant 64 : index
    %get3A_454 = tpu.vector_load %arg11[%get3A_453] {strides = array<i32>} : memref<128xi32, #tpu.memory_space<vmem>>, vector<16xi32>,
    %mul3A_455 = arith.constant 4096 : i32
    %mul3A_456 = vector.broadcast %mul3A_455 : i32 to vector<16xi32>
    %mul3A_457 = arith.muli %get3A_450, %mul3A_456 : vector<16xi32>
    %mul3A_458 = arith.constant 64 : i32
    %mul3A_459 = vector.broadcast %mul3A_458 : i32 to vector<16xi32>
    %mul3A_460 = arith.muli %get3A_454, %mul3A_459 : vector<16xi32>
    %add3A_461 = arith.addi %mul3A_457, %mul3A_460 : vector<16xi32>
    %add3A_462 = arith.addi %add3A_461, %get3A_452 : vector<16xi32>
    %swap3A_463 = arith.constant 64 : index
    %swap3A_464 = tpu.vector_load %arg13[%swap3A_463] {strides = array<i32>} : memref<128xi32, #tpu.memory_space<vmem>>, vector<16xi32>,
    tpu.vector_store %arg13[%swap3A_463], %add3A_462 {strides = array<i32>} : memref<128xi32, #tpu.memory_space<vmem>>, vector<16xi32>,
    %get3A_465 = arith.constant 80 : index
    %get3A_466 = tpu.vector_load %arg7[%get3A_465] {strides = array<i32>} : memref<128xi32, #tpu.memory_space<vmem>>, vector<16xi32>,
    %get3A_467 = arith.constant 80 : index
    %get3A_468 = tpu.vector_load %arg9[%get3A_467] {strides = array<i32>} : memref<128xi32, #tpu.memory_space<vmem>>, vector<16xi32>,
    %get3A_469 = arith.constant 80 : index
    %get3A_470 = tpu.vector_load %arg11[%get3A_469] {strides = array<i32>} : memref<128xi32, #tpu.memory_space<vmem>>, vector<16xi32>,
    %mul3A_471 = arith.constant 4096 : i32
    %mul3A_472 = vector.broadcast %mul3A_471 : i32 to vector<16xi32>
    %mul3A_473 = arith.muli %get3A_466, %mul3A_472 : vector<16xi32>
    %mul3A_474 = arith.constant 64 : i32
    %mul3A_475 = vector.broadcast %mul3A_474 : i32 to vector<16xi32>
    %mul3A_476 = arith.muli %get3A_470, %mul3A_475 : vector<16xi32>
    %add3A_477 = arith.addi %mul3A_473, %mul3A_476 : vector<16xi32>
    %add3A_478 = arith.addi %add3A_477, %get3A_468 : vector<16xi32>
    %swap3A_479 = arith.constant 80 : index
    %swap3A_480 = tpu.vector_load %arg13[%swap3A_479] {strides = array<i32>} : memref<128xi32, #tpu.memory_space<vmem>>, vector<16xi32>,
    tpu.vector_store %arg13[%swap3A_479], %add3A_478 {strides = array<i32>} : memref<128xi32, #tpu.memory_space<vmem>>, vector<16xi32>,
    %get3A_481 = arith.constant 96 : index
    %get3A_482 = tpu.vector_load %arg7[%get3A_481] {strides = array<i32>} : memref<128xi32, #tpu.memory_space<vmem>>, vector<16xi32>,
    %get3A_483 = arith.constant 96 : index
    %get3A_484 = tpu.vector_load %arg9[%get3A_483] {strides = array<i32>} : memref<128xi32, #tpu.memory_space<vmem>>, vector<16xi32>,
    %get3A_485 = arith.constant 96 : index
    %get3A_486 = tpu.vector_load %arg11[%get3A_485] {strides = array<i32>} : memref<128xi32, #tpu.memory_space<vmem>>, vector<16xi32>,
    %mul3A_487 = arith.constant 4096 : i32
    %mul3A_488 = vector.broadcast %mul3A_487 : i32 to vector<16xi32>
    %mul3A_489 = arith.muli %get3A_482, %mul3A_488 : vector<16xi32>
    %mul3A_490 = arith.constant 64 : i32
    %mul3A_491 = vector.broadcast %mul3A_490 : i32 to vector<16xi32>
    %mul3A_492 = arith.muli %get3A_486, %mul3A_491 : vector<16xi32>
    %add3A_493 = arith.addi %mul3A_489, %mul3A_492 : vector<16xi32>
    %add3A_494 = arith.addi %add3A_493, %get3A_484 : vector<16xi32>
    %swap3A_495 = arith.constant 96 : index
    %swap3A_496 = tpu.vector_load %arg13[%swap3A_495] {strides = array<i32>} : memref<128xi32, #tpu.memory_space<vmem>>, vector<16xi32>,
    tpu.vector_store %arg13[%swap3A_495], %add3A_494 {strides = array<i32>} : memref<128xi32, #tpu.memory_space<vmem>>, vector<16xi32>,
    %get3A_497 = arith.constant 112 : index
    %get3A_498 = tpu.vector_load %arg7[%get3A_497] {strides = array<i32>} : memref<128xi32, #tpu.memory_space<vmem>>, vector<16xi32>,
    %get3A_499 = arith.constant 112 : index
    %get3A_500 = tpu.vector_load %arg9[%get3A_499] {strides = array<i32>} : memref<128xi32, #tpu.memory_space<vmem>>, vector<16xi32>,
    %get3A_501 = arith.constant 112 : index
    %get3A_502 = tpu.vector_load %arg11[%get3A_501] {strides = array<i32>} : memref<128xi32, #tpu.memory_space<vmem>>, vector<16xi32>,
    %mul3A_503 = arith.constant 4096 : i32
    %mul3A_504 = vector.broadcast %mul3A_503 : i32 to vector<16xi32>
    %mul3A_505 = arith.muli %get3A_498, %mul3A_504 : vector<16xi32>
    %mul3A_506 = arith.constant 64 : i32
    %mul3A_507 = vector.broadcast %mul3A_506 : i32 to vector<16xi32>
    %mul3A_508 = arith.muli %get3A_502, %mul3A_507 : vector<16xi32>
    %add3A_509 = arith.addi %mul3A_505, %mul3A_508 : vector<16xi32>
    %add3A_510 = arith.addi %add3A_509, %get3A_500 : vector<16xi32>
    %swap3A_511 = arith.constant 112 : index
    %swap3A_512 = tpu.vector_load %arg13[%swap3A_511] {strides = array<i32>} : memref<128xi32, #tpu.memory_space<vmem>>, vector<16xi32>,
    tpu.vector_store %arg13[%swap3A_511], %add3A_510 {strides = array<i32>} : memref<128xi32, #tpu.memory_space<vmem>>, vector<16xi32>,
    %add3A_513 = arith.constant 48 : i32
    %add3A_514 = arith.constant 2 : i32
    %add3A_515 = arith.addi %add3A_513, %add3A_514 : i32
    %mul3A_516 = arith.constant 32 : i32
    %mul3A_517 = arith.muli %add3A_515, %mul3A_516 : i32
    %add3A_518 = arith.addi %add3A, %mul3A_517 : i32
    %min3A_519 = arith.constant 1562 : i32
    %min3A_520 = arith.minsi %add3A_518, %min3A_519 : i32
    %mul3A_521 = arith.constant 128 : i32
    %mul3A_522 = arith.muli %min3A_520, %mul3A_521 : i32
    %min3A_523 = arith.constant 199872 : i32
    %min3A_524 = arith.minsi %mul3A_522, %min3A_523 : i32
    %dma_start3A_525 = tpu.memref_slice %arg3[%min3A_524] : memref<200000xi32, #tpu.memory_space<hbm>> -> memref<128xi32, #tpu.memory_space<hbm>>
    %dma_start3A_526 = tpu.memref_slice %arg3[%min3A_524] : memref<200000xi32, #tpu.memory_space<hbm>> -> memref<128xi32, #tpu.memory_space<hbm>>
    tpu.enqueue_dma source(%dma_start3A_526 : memref<128xi32, #tpu.memory_space<hbm>>) target(%arg7 : memref<128xi32, #tpu.memory_space<vmem>>) target_semaphore(%arg17 : memref<!tpu.dma_semaphore, #tpu.memory_space<semaphore_mem>>)
    %dma_start3A_527 = tpu.memref_slice %arg4[%min3A_524] : memref<200000xi32, #tpu.memory_space<hbm>> -> memref<128xi32, #tpu.memory_space<hbm>>
    %dma_start3A_528 = tpu.memref_slice %arg4[%min3A_524] : memref<200000xi32, #tpu.memory_space<hbm>> -> memref<128xi32, #tpu.memory_space<hbm>>
    tpu.enqueue_dma source(%dma_start3A_528 : memref<128xi32, #tpu.memory_space<hbm>>) target(%arg9 : memref<128xi32, #tpu.memory_space<vmem>>) target_semaphore(%arg17 : memref<!tpu.dma_semaphore, #tpu.memory_space<semaphore_mem>>)
    %dma_start3A_529 = tpu.memref_slice %arg5[%min3A_524] : memref<200000xi32, #tpu.memory_space<hbm>> -> memref<128xi32, #tpu.memory_space<hbm>>
    %dma_start3A_530 = tpu.memref_slice %arg5[%min3A_524] : memref<200000xi32, #tpu.memory_space<hbm>> -> memref<128xi32, #tpu.memory_space<hbm>>
    tpu.enqueue_dma source(%dma_start3A_530 : memref<128xi32, #tpu.memory_space<hbm>>) target(%arg11 : memref<128xi32, #tpu.memory_space<vmem>>) target_semaphore(%arg17 : memref<!tpu.dma_semaphore, #tpu.memory_space<semaphore_mem>>)
    %dma_wait3A_531 = arith.constant 0 : i32
    %dma_wait3A_532 = arith.constant 0 : i32
    %dma_wait3A_533 = tpu.memref_slice %arg6[%dma_wait3A_531, %dma_wait3A_532] : memref<200000x256xf32, #tpu.memory_space<hbm>> -> memref<128x256xf32, #tpu.memory_space<hbm>>
    %dma_wait3A_534 = arith.constant 0 : i32
    %dma_wait3A_535 = arith.constant 0 : i32
    %dma_wait3A_536 = tpu.memref_slice %arg6[%dma_wait3A_534, %dma_wait3A_535] : memref<200000x256xf32, #tpu.memory_space<hbm>> -> memref<128x256xf32, #tpu.memory_space<hbm>>
    tpu.wait_dma2 semaphore(%arg21 : memref<!tpu.dma_semaphore, #tpu.memory_space<semaphore_mem>>) src(%arg15 : memref<128x256xf32, #tpu.memory_space<vmem>>) dst(%dma_wait3A_536 : memref<128x256xf32, #tpu.memory_space<hbm>>)
    %dma_start3A_537 = arith.constant 0 : i32
    %dma_start3A_538 = arith.constant 0 : i32
    %dma_start3A_539 = tpu.memref_slice %arg2[%dma_start3A_537, %dma_start3A_538] : memref<65536x256xf32, #tpu.memory_space<hbm>> -> memref<65536x256xf32, #tpu.memory_space<hbm>>
    tpu.enqueue_indirect_dma source(%dma_start3A_539 : memref<65536x256xf32, #tpu.memory_space<hbm>>) target(%arg15 : memref<128x256xf32, #tpu.memory_space<vmem>>) offsets(%arg13 : memref<128xi32, #tpu.memory_space<vmem>>) semaphore(%arg19 : memref<!tpu.dma_semaphore, #tpu.memory_space<semaphore_mem>>)
    %dma_wait3A_540 = arith.constant 0 : i32
    %dma_wait3A_541 = arith.constant 0 : i32
    %dma_wait3A_542 = tpu.memref_slice %arg2[%dma_wait3A_540, %dma_wait3A_541] : memref<65536x256xf32, #tpu.memory_space<hbm>> -> memref<65536x256xf32, #tpu.memory_space<hbm>>
    tpu.wait_indirect_dma semaphore(%arg20 : memref<!tpu.dma_semaphore, #tpu.memory_space<semaphore_mem>>) src(%dma_wait3A_542 : memref<65536x256xf32, #tpu.memory_space<hbm>>) dst(%arg16 : memref<128x256xf32, #tpu.memory_space<vmem>>)
    %sub3A_543 = arith.constant 48 : i32
    %sub3A_544 = arith.constant 1 : i32
    %sub3A_545 = arith.subi %sub3A_543, %sub3A_544 : i32
    %mul3A_546 = arith.constant 32 : i32
    %mul3A_547 = arith.muli %sub3A_545, %mul3A_546 : i32
    %add3A_548 = arith.addi %add3A, %mul3A_547 : i32
    %min3A_549 = arith.constant 1562 : i32
    %min3A_550 = arith.minsi %add3A_548, %min3A_549 : i32
    %mul3A_551 = arith.constant 128 : i32
    %mul3A_552 = arith.muli %min3A_550, %mul3A_551 : i32
    %min3A_553 = arith.constant 199872 : i32
    %min3A_554 = arith.minsi %mul3A_552, %min3A_553 : i32
    %dma_start3A_555 = arith.constant 0 : i32
    %dma_start3A_556 = tpu.memref_slice %arg6[%min3A_554, %dma_start3A_555] : memref<200000x256xf32, #tpu.memory_space<hbm>> -> memref<128x256xf32, #tpu.memory_space<hbm>>
    %dma_start3A_557 = arith.constant 0 : i32
    %dma_start3A_558 = tpu.memref_slice %arg6[%min3A_554, %dma_start3A_557] : memref<200000x256xf32, #tpu.memory_space<hbm>> -> memref<128x256xf32, #tpu.memory_space<hbm>>
    tpu.enqueue_dma source(%arg16 : memref<128x256xf32, #tpu.memory_space<vmem>>) target(%dma_start3A_558 : memref<128x256xf32, #tpu.memory_space<hbm>>) target_semaphore(%arg22 : memref<!tpu.dma_semaphore, #tpu.memory_space<semaphore_mem>>)
    %dma_wait3A_559 = arith.constant 0 : i32
    %dma_wait3A_560 = arith.constant 0 : i32
    %dma_wait3A_561 = tpu.memref_slice %arg2[%dma_wait3A_559, %dma_wait3A_560] : memref<65536x256xf32, #tpu.memory_space<hbm>> -> memref<65536x256xf32, #tpu.memory_space<hbm>>
    tpu.wait_indirect_dma semaphore(%arg19 : memref<!tpu.dma_semaphore, #tpu.memory_space<semaphore_mem>>) src(%dma_wait3A_561 : memref<65536x256xf32, #tpu.memory_space<hbm>>) dst(%arg15 : memref<128x256xf32, #tpu.memory_space<vmem>>)
    %mul3A_562 = arith.constant 48 : i32
    %mul3A_563 = arith.constant 32 : i32
    %mul3A_564 = arith.muli %mul3A_562, %mul3A_563 : i32
    %add3A_565 = arith.addi %add3A, %mul3A_564 : i32
    %min3A_566 = arith.constant 1562 : i32
    %min3A_567 = arith.minsi %add3A_565, %min3A_566 : i32
    %mul3A_568 = arith.constant 128 : i32
    %mul3A_569 = arith.muli %min3A_567, %mul3A_568 : i32
    %min3A_570 = arith.constant 199872 : i32
    %min3A_571 = arith.minsi %mul3A_569, %min3A_570 : i32
    %dma_start3A_572 = arith.constant 0 : i32
    %dma_start3A_573 = tpu.memref_slice %arg6[%min3A_571, %dma_start3A_572] : memref<200000x256xf32, #tpu.memory_space<hbm>> -> memref<128x256xf32, #tpu.memory_space<hbm>>
    %dma_start3A_574 = arith.constant 0 : i32
    %dma_start3A_575 = tpu.memref_slice %arg6[%min3A_571, %dma_start3A_574] : memref<200000x256xf32, #tpu.memory_space<hbm>> -> memref<128x256xf32, #tpu.memory_space<hbm>>
    tpu.enqueue_dma source(%arg15 : memref<128x256xf32, #tpu.memory_space<vmem>>) target(%dma_start3A_575 : memref<128x256xf32, #tpu.memory_space<hbm>>) target_semaphore(%arg21 : memref<!tpu.dma_semaphore, #tpu.memory_space<semaphore_mem>>)
    %dma_wait3A_576 = arith.constant 0 : i32
    %dma_wait3A_577 = arith.constant 0 : i32
    %dma_wait3A_578 = tpu.memref_slice %arg6[%dma_wait3A_576, %dma_wait3A_577] : memref<200000x256xf32, #tpu.memory_space<hbm>> -> memref<128x256xf32, #tpu.memory_space<hbm>>
    %dma_wait3A_579 = arith.constant 0 : i32
    %dma_wait3A_580 = arith.constant 0 : i32
    %dma_wait3A_581 = tpu.memref_slice %arg6[%dma_wait3A_579, %dma_wait3A_580] : memref<200000x256xf32, #tpu.memory_space<hbm>> -> memref<128x256xf32, #tpu.memory_space<hbm>>
    tpu.wait_dma2 semaphore(%arg21 : memref<!tpu.dma_semaphore, #tpu.memory_space<semaphore_mem>>) src(%arg15 : memref<128x256xf32, #tpu.memory_space<vmem>>) dst(%dma_wait3A_581 : memref<128x256xf32, #tpu.memory_space<hbm>>)
    %dma_wait3A_582 = arith.constant 0 : i32
    %dma_wait3A_583 = tpu.memref_slice %arg3[%dma_wait3A_582] : memref<200000xi32, #tpu.memory_space<hbm>> -> memref<128xi32, #tpu.memory_space<hbm>>
    %dma_wait3A_584 = arith.constant 0 : i32
    %dma_wait3A_585 = tpu.memref_slice %arg3[%dma_wait3A_584] : memref<200000xi32, #tpu.memory_space<hbm>> -> memref<128xi32, #tpu.memory_space<hbm>>
    tpu.wait_dma2 semaphore(%arg17 : memref<!tpu.dma_semaphore, #tpu.memory_space<semaphore_mem>>) src(%dma_wait3A_585 : memref<128xi32, #tpu.memory_space<hbm>>) dst(%arg7 : memref<128xi32, #tpu.memory_space<vmem>>)
    %dma_wait3A_586 = arith.constant 0 : i32
    %dma_wait3A_587 = tpu.memref_slice %arg3[%dma_wait3A_586] : memref<200000xi32, #tpu.memory_space<hbm>> -> memref<128xi32, #tpu.memory_space<hbm>>
    %dma_wait3A_588 = arith.constant 0 : i32
    %dma_wait3A_589 = tpu.memref_slice %arg3[%dma_wait3A_588] : memref<200000xi32, #tpu.memory_space<hbm>> -> memref<128xi32, #tpu.memory_space<hbm>>
    tpu.wait_dma2 semaphore(%arg17 : memref<!tpu.dma_semaphore, #tpu.memory_space<semaphore_mem>>) src(%dma_wait3A_589 : memref<128xi32, #tpu.memory_space<hbm>>) dst(%arg9 : memref<128xi32, #tpu.memory_space<vmem>>)
    %dma_wait3A_590 = arith.constant 0 : i32
    %dma_wait3A_591 = tpu.memref_slice %arg3[%dma_wait3A_590] : memref<200000xi32, #tpu.memory_space<hbm>> -> memref<128xi32, #tpu.memory_space<hbm>>
    %dma_wait3A_592 = arith.constant 0 : i32
    %dma_wait3A_593 = tpu.memref_slice %arg3[%dma_wait3A_592] : memref<200000xi32, #tpu.memory_space<hbm>> -> memref<128xi32, #tpu.memory_space<hbm>>
    tpu.wait_dma2 semaphore(%arg17 : memref<!tpu.dma_semaphore, #tpu.memory_space<semaphore_mem>>) src(%dma_wait3A_593 : memref<128xi32, #tpu.memory_space<hbm>>) dst(%arg11 : memref<128xi32, #tpu.memory_space<vmem>>)
    %dma_wait3A_594 = arith.constant 0 : i32
    %dma_wait3A_595 = arith.constant 0 : i32
    %dma_wait3A_596 = tpu.memref_slice %arg6[%dma_wait3A_594, %dma_wait3A_595] : memref<200000x256xf32, #tpu.memory_space<hbm>> -> memref<128x256xf32, #tpu.memory_space<hbm>>
    %dma_wait3A_597 = arith.constant 0 : i32
    %dma_wait3A_598 = arith.constant 0 : i32
    %dma_wait3A_599 = tpu.memref_slice %arg6[%dma_wait3A_597, %dma_wait3A_598] : memref<200000x256xf32, #tpu.memory_space<hbm>> -> memref<128x256xf32, #tpu.memory_space<hbm>>
    tpu.wait_dma2 semaphore(%arg22 : memref<!tpu.dma_semaphore, #tpu.memory_space<semaphore_mem>>) src(%arg16 : memref<128x256xf32, #tpu.memory_space<vmem>>) dst(%dma_wait3A_599 : memref<128x256xf32, #tpu.memory_space<hbm>>)
    %dma_wait3A_600 = arith.constant 0 : i32
    %dma_wait3A_601 = tpu.memref_slice %arg3[%dma_wait3A_600] : memref<200000xi32, #tpu.memory_space<hbm>> -> memref<128xi32, #tpu.memory_space<hbm>>
    %dma_wait3A_602 = arith.constant 0 : i32
    %dma_wait3A_603 = tpu.memref_slice %arg3[%dma_wait3A_602] : memref<200000xi32, #tpu.memory_space<hbm>> -> memref<128xi32, #tpu.memory_space<hbm>>
    tpu.wait_dma2 semaphore(%arg18 : memref<!tpu.dma_semaphore, #tpu.memory_space<semaphore_mem>>) src(%dma_wait3A_603 : memref<128xi32, #tpu.memory_space<hbm>>) dst(%arg8 : memref<128xi32, #tpu.memory_space<vmem>>)
    %dma_wait3A_604 = arith.constant 0 : i32
    %dma_wait3A_605 = tpu.memref_slice %arg3[%dma_wait3A_604] : memref<200000xi32, #tpu.memory_space<hbm>> -> memref<128xi32, #tpu.memory_space<hbm>>
    %dma_wait3A_606 = arith.constant 0 : i32
    %dma_wait3A_607 = tpu.memref_slice %arg3[%dma_wait3A_606] : memref<200000xi32, #tpu.memory_space<hbm>> -> memref<128xi32, #tpu.memory_space<hbm>>
    tpu.wait_dma2 semaphore(%arg18 : memref<!tpu.dma_semaphore, #tpu.memory_space<semaphore_mem>>) src(%dma_wait3A_607 : memref<128xi32, #tpu.memory_space<hbm>>) dst(%arg10 : memref<128xi32, #tpu.memory_space<vmem>>)
    %dma_wait3A_608 = arith.constant 0 : i32
    %dma_wait3A_609 = tpu.memref_slice %arg3[%dma_wait3A_608] : memref<200000xi32, #tpu.memory_space<hbm>> -> memref<128xi32, #tpu.memory_space<hbm>>
    %dma_wait3A_610 = arith.constant 0 : i32
    %dma_wait3A_611 = tpu.memref_slice %arg3[%dma_wait3A_610] : memref<200000xi32, #tpu.memory_space<hbm>> -> memref<128xi32, #tpu.memory_space<hbm>>
    tpu.wait_dma2 semaphore(%arg18 : memref<!tpu.dma_semaphore, #tpu.memory_space<semaphore_mem>>) src(%dma_wait3A_611 : memref<128xi32, #tpu.memory_space<hbm>>) dst(%arg12 : memref<128xi32, #tpu.memory_space<vmem>>)
    return
  }
}

</mosaic_0001>

<sc_bundles>
// kernel: kernel.3.cloned.1.call-start
scs
__scs_entry_jumppad:
0x0: {  	(pc) =	sbr.rel $0x88, $3  }
0x1: {  	(tag) =	ssettag $0x0;
	lr =	simm.s32 $0x1  }
0x2: {  	[smem:$0x3F9E] =	sst lr;
	_ =	strace $0xD0000000  }
0x3: {  	_ = 	snop  }
0x4: {  	_ = 	snop  }
0x5: {  	_ = 	snop  }
0x6: {  	_ = 	snop  }
0x7: {  	_ = 	snop  }
__scs_overlays_trampoline_lowered:
0x8: {  	[smem:$0x3FAD] =	sst s0  }
0x9: {  	[smem:$0x3FAE] =	sst s1  }
0xa: {  	[smem:$0x3FAF] =	sst s2  }
0xb: {  	[smem:$0x3FB0] =	sst s3  }
0xc: {  	[smem:$0x3FB1] =	sst s4  }
0xd: {  	[smem:$0x3FB2] =	sst s5  }
0xe: {  	[smem:$0x3FB3] =	sst s6  }
0xf: {  	[smem:$0x3FB4] =	sst s7  }
0x10: {  	[smem:$0x3FB5] =	sst s8  }
0x11: {  	[smem:$0x3FB6] =	sst s9;
	s0 =	simm.s32 @!p0 $0x0  }
0x12: {  	s1 =	sld [smem:$0x3F9C];
	s0 =	simm.s32 @p0 $0x1  }
0x13: {  	[smem:$0x3FB7] =	sst s0;
	s0 =	simm.s32 @!p1 $0x0  }
0x14: {  	s2 =	sld [smem:$0x3F9B];
	s0 =	simm.s32 @p1 $0x1  }
0x15: {  	[smem:$0x3FB8] =	sst s0;
	s0 =	simm.s32 @!p2 $0x0  }
0x16: {  	s3 =	sld [smem:$0x3FDB];
	s0 =	simm.s32 @p2 $0x1  }
0x17: {  	s4 =	simm.s32 $0x1BF5;
	[smem:$0x3FBA] =	sst s0  }
0x18: {  	s0 =	sld [smem:$0x3F9D];
	_ =	swait.ge [sflag:s4], $0x0  }
0x19: {  	s7 =	sld [smem:$0x3F9E]  }
0x1a: {  	s8 =	sadd.s32 $0xFFFFE003, lr  }
0x1b: {  	s9 =	sadd.s32 $0xFFFFFEF7, lr;
	s5 =	simm.s32 $0xFFFFFFFF;
	p2 =	slt.u32 s8, $0xFFFFF086  }
0x1c: {  	p1 =	slt.u32 s9, $0xF7A;
	s5 =	simm.s32 @!p2 $0x0  }
0x1d: {  	s5 =	simm.s32 @p1 $0x1;
	p0 =	seq.s32 s7, s2  }
0x1e: {  	s7 =	smul.u32 @!p0 $0xF7A, s2;
	p2 =	seq.s32 @!p0 s5, $0x0  }
0x1f: {  	s9 =	smul.u32 $0xF7A, s1;
	s8 =	simm.s32 @!p0 $0x1BF5;
	p2 =	por !p2, p0  }
0x20: {  	[sflag:s8] =	ssyncset.s32 @!p0 $0xFFFFF086;
	s6 =	sadd.s32 @!p0 s3, s7;
	s7 =	simm.s32 @!p0 $0x108  }
0x21: {  	s3 =	sadd.s32 s3, s9;
	s6 =	sadd.s32 @!p0 $0x88, s6;
	s7 =	simm.s32 @p2 $0x1082  }
0x22: {  	[simem:s7], [sflag:s8] =	dma.local @!p0 [hbm:s6], $0xF7A  }
0x23: {  	s9 =	sor.u32 $0xD0000000, s2;
	s6 =	simm.s32 $0x108;
	_ =	swait.ge @!p0 [sflag:s8], $0x0  }
0x24: {  	s3 =	sadd.s32 $0x88, s3;
	s6 =	simm.s32 @!p1 $0x1082;
	[sflag:s4] =	ssyncset.s32 $0xFFFFF086  }
0x25: {  	[simem:s6], [sflag:s4] =	dma.local [hbm:s3], $0xF7A  }
0x26: {  	[smem:$0x3F9E] =	sst s1;
	(tag) =	ssettag s2;
	_ =	strace s9  }
0x27: {  	s1 =	sld [smem:$0x3FAE]  }
0x28: {  	s2 =	sld [smem:$0x3FAF]  }
0x29: {  	s4 =	sld [smem:$0x3FB1]  }
0x2a: {  	p0 =	seq.s32 s5, $0x0;
	s5 =	sld [smem:$0x3FB2]  }
0x2b: {  	s6 =	sld [smem:$0x3FB3]  }
0x2c: {  	s7 =	sld [smem:$0x3FB4]  }
0x2d: {  	s3 =	simm.s32 $0x108;
	s8 =	sld [smem:$0x3FB5]  }
0x2e: {  	s3 =	simm.s32 @!p0 $0x1082;
	s9 =	sld [smem:$0x3FB6]  }
0x2f: {  	lr =	sadd.s32 s0, s3;
	s0 =	sld [smem:$0x3FAD]  }
0x30: {  	s3 =	sld [smem:$0x3FB0]  }
0x31: {  	[smem:$0x3FB9] =	sst s10  }
0x32: {  	s10 =	sld [smem:$0x3FB7];
	_ =	sdelay $0x3  }
0x33: {  	p0 =	seq.s32 s10, $0x1;
	s10 =	sld [smem:$0x3FB9];
	_ =	sdelay $0x3  }
0x34: {  	[smem:$0x3FB9] =	sst s10  }
0x35: {  	s10 =	sld [smem:$0x3FB8];
	_ =	sdelay $0x3  }
0x36: {  	p1 =	seq.s32 s10, $0x1;
	s10 =	sld [smem:$0x3FB9];
	_ =	sdelay $0x3  }
0x37: {  	[smem:$0x3FB9] =	sst s10  }
0x38: {  	s10 =	sld [smem:$0x3FBA]  }
0x39: {  	_ = 	snop;
	(pc) =	sbr.ind lr, $3  }
0x3a: {  	_ = 	snop  }
0x3b: {  	_ = 	snop  }
0x3c: {  	p2 =	seq.s32 s10, $0x1;
	s10 =	sld [smem:$0x3FB9]  }
0x3d: {  	_ =	shalt  }
0x3e: {  	_ =	shalt  }
0x3f: {  	_ =	shalt  }
0x40: {  	_ =	shalt  }
0x41: {  	_ =	shalt  }
0x42: {  	_ =	shalt  }
0x43: {  	_ =	shalt  }
0x44: {  	_ =	shalt  }
0x45: {  	_ =	shalt  }
0x46: {  	_ =	shalt  }
0x47: {  	_ =	shalt  }
0x48: {  	_ =	shalt  }
0x49: {  	_ =	shalt  }
0x4a: {  	_ =	shalt  }
0x4b: {  	_ =	shalt  }
0x4c: {  	_ =	shalt  }
0x4d: {  	_ =	shalt  }
0x4e: {  	_ =	shalt  }
0x4f: {  	_ =	shalt  }
0x50: {  	_ =	shalt  }
0x51: {  	_ =	shalt  }
0x52: {  	_ =	shalt  }
0x53: {  	_ =	shalt  }
0x54: {  	_ =	shalt  }
0x55: {  	_ =	shalt  }
0x56: {  	_ =	shalt  }
0x57: {  	_ =	shalt  }
0x58: {  	_ =	shalt  }
0x59: {  	_ =	shalt  }
0x5a: {  	_ =	shalt  }
0x5b: {  	_ =	shalt  }
0x5c: {  	_ =	shalt  }
0x5d: {  	_ =	shalt  }
0x5e: {  	_ =	shalt  }
0x5f: {  	_ =	shalt  }
0x60: {  	_ =	shalt  }
0x61: {  	_ =	shalt  }
0x62: {  	_ =	shalt  }
0x63: {  	_ =	shalt  }
0x64: {  	_ =	shalt  }
0x65: {  	_ =	shalt  }
0x66: {  	_ =	shalt  }
0x67: {  	_ =	shalt  }
0x68: {  	_ =	shalt  }
0x69: {  	_ =	shalt  }
0x6a: {  	_ =	shalt  }
0x6b: {  	_ =	shalt  }
0x6c: {  	_ =	shalt  }
0x6d: {  	_ =	shalt  }
0x6e: {  	_ =	shalt  }
0x6f: {  	_ =	shalt  }
0x70: {  	_ =	shalt  }
0x71: {  	_ =	shalt  }
0x72: {  	_ =	shalt  }
0x73: {  	_ =	shalt  }
0x74: {  	_ =	shalt  }
0x75: {  	_ =	shalt  }
0x76: {  	_ =	shalt  }
0x77: {  	_ =	shalt  }
0x78: {  	_ =	shalt  }
0x79: {  	_ =	shalt  }
0x7a: {  	_ =	shalt  }
0x7b: {  	_ =	shalt  }
0x7c: {  	_ =	shalt  }
0x7d: {  	_ =	shalt  }
0x7e: {  	_ =	shalt  }
0x7f: {  	_ =	shalt  }
0x80: {  	_ =	shalt  }
0x81: {  	_ =	shalt  }
0x82: {  	_ =	shalt  }
0x83: {  	_ =	shalt  }
0x84: {  	_ =	shalt  }
0x85: {  	_ =	shalt  }
0x86: {  	_ =	shalt  }
0x87: {  	_ =	shalt  }
.Lfunc_end0:
.L_simem_size_0:
called_computation_lowered:
.L_overlay_start_0:
0x88: {  	s2 =	sld [smem:$0x3FD9]  }
0x89: {  	s3 =	sld [smem:$0x3FFE];
	_ =	sdelay $0x1  }
0x8a: {  	s1 =	srdreg.scid  }
0x8b: {  	s0 =	sand.u32 $0x1, s1  }
0x8c: {  	s17 =	sshll.u32 s0, $0xA;
	s2 =	sadd.s32 s3, s2  }
0x8d: {  	s2 =	sadd.s32 s2, s17  }
0x8e: {  	[smem:$0x3FC5] =	sst s2  }
0x8f: {  	_ = 	snop  }
0x90: {  	s2 =	sld [smem:$0x3FC9]  }
0x91: {  	s18 =	sld [smem:$0x3FC8]  }
0x92: {  	s4 =	sld [smem:$0x3FD0];
	(tm) =	ssettm $0x1  }
0x93: {  	s5 =	sld [smem:$0x3FFB];
	_ =	sdelay $0x3  }
0x94: {  	_ =	strace s5  }
0x95: {  	s5 =	sld [smem:$0x3FFC];
	_ =	sdelay $0x3  }
0x96: {  	_ =	strace s5  }
0x97: {  	s5 =	sld [smem:$0x3FFD];
	_ =	sdelay $0x3  }
0x98: {  	_ =	strace s5  }
0x99: {  	_ =	strace $0x8FFFFFFF  }
0x9a: {  	s19 =	sld [smem:$0x3FDB];
	_ =	sdelay $0x1  }
0x9b: {  	s6 =	simm.s32 $_scs_section_size  }
0x9c: {  	s7 =	simm.s32 $_size__tile_overlayer_lowered;
	s8 =	simm.s32 $_tile_overlayer_lowered  }
0x9d: {  	s22 =	simm.s32 $0x1BFF;
	s21 =	sshll.u32 s8, $0x1;
	s5 =	sadd.s32 s6, s19  }
0x9e: {  	s9 =	simm.s32 $0x0;
	s20 =	sshll.u32 s7, $0x1;
	s7 =	sadd.s32 s21, s5  }
0x9f: {  	[timem:s9], [sflag:s22] =	dma.local [hbm:s7], s20  }
0xa0: {  	_ =	swait.ge [sflag:s22], s20  }
0xa1: {  	s6 =	ssub.s32 $0x0, s20;
	[sflag:s22] =	ssyncset.done $0x0  }
0xa2: {  	[sflag:s22] =	ssyncadd.s32 s6;
	_ =	sdelay $0x1  }
0xa3: {  	s23 =	simm.s32 $0x1B8B  }
0xa4: {  	_ =	swait.ge [sflag:s23], $0x1  }
0xa5: {  	[sflag:s23] =	ssyncset.done $0x0  }
0xa6: {  	s25 =	simm.s32 $0x1B8E;
	s24 =	sld [smem:$0x3FFE];
	[sflag:s23] =	ssyncadd.s32 $0xFFFFFFFF  }
0xa7: {  	s26 =	simm.s32 $execute0_lowered;
	[smem:$0x3FD2] =	sst s25  }
0xa8: {  	s7 =	sshll.u32 s26, $0x1;
	_ =	strace $0x80000046;
	[dreg:$0x1] =	wrdreg $0xFFFFFFFF  }
0xa9: {  	s28 =	simm.s32 $_size_execute0_lowered;
	s5 =	sadd.s32 s5, s7;
	[dreg:$0x0] =	wrdreg $0x0  }
0xaa: {  	s7 =	sshll.u32 s28, $0x1;
	[dreg:$0x2] =	wrdreg s5  }
0xab: {  	[dreg:$0x3] =	wrdreg s7  }
0xac: {  	[dreg:$0x4] =	wrdreg $0xC0  }
0xad: {  	_ =	task [dreg:s9], $0x5FFFF  }
0xae: {  	[dreg:$0x1] =	wrdreg $0xFFFFFFFF  }
0xaf: {  	[dreg:$0x0] =	wrdreg $0x60  }
0xb0: {  	[dreg:$0x2] =	wrdreg s2  }
0xb1: {  	[dreg:$0x3] =	wrdreg s18  }
0xb2: {  	[dreg:$0x4] =	wrdreg s24  }
0xb3: {  	[dreg:$0x5] =	wrdreg s4  }
0xb4: {  	[dreg:$0x6] =	wrdreg $0x9  }
0xb5: {  	_ =	task.clear_ibuf [dreg:s9], $0x7FFFF;
	_ =	strace $0x90000046  }
0xb6: {  	s29 =	simm.s32 $0x9;
	_ =	strace $0x80000048  }
0xb7: {  	_ =	swait.ge [sflag:s29], $0x1  }
0xb8: {  	[sflag:s29] =	ssyncadd.s32 $0xFFFFFFFF  }
0xb9: {  	_ =	strace $0x90000048  }
0xba: {  	_ =	sfence  }
0xbb: {  	s30 =	sld [smem:$0x0];
	_ =	sdelay $0x2  }
0xbc: {  	s31 =	sshll.u32 s1, $0xD;
	s1 =	sshrl.u32 s1, $0x2  }
0xbd: {  	s3 =	sand.u32 $0x4000, s31;
	s1 =	sadd.s32 s1, s30  }
0xbe: {  	s0 =	sor.u32 s3, s0;
	s1 =	sshll.u32 s1, $0x11  }
0xbf: {  	s0 =	sor.u32 s1, s0  }
0xc0: {  	s0 =	sadd.s32 $0x8F2B, s0  }
0xc1: {  	[sflag:s0] =	ssyncadd.remote.s32 $0x1  }
0xc2: {  	_ =	sfence.sel $0xFFFF  }
0xc3: {  	[dreg:$0x0] =	wrdreg $0xFFFFFFFF;
	(pc) =	sbr.abs _section_cstart, $3  }
0xc4: {  	[dreg:$0x1] =	wrdreg $0xFFFFFFFF  }
0xc5: {  	_ =	task.clear_ibuf [dreg:s9], $0x2FFFF;
	_ =	strace $0x9FFFFFFF  }
0xc6: {  	(tm) =	ssettm $0x7FFFFFFF  }
0xc7: {  	_ =	shalt  }
tec
execute0_lowered:
.L_overlay_start_1:
0x0: {  	(tag) =	ssettag $0x1  }
0x1: {  	s1 =	rddreg [dreg:$0x0]  }
0x2: {  	s2 =	rddreg [dreg:$0x1]  }
0x3: {  	s3 =	rddreg [dreg:$0x2]  }
0x4: {  	s0 =	rddreg [dreg:$0x3];
	s5 =	simm.s32 $0x0;
	s4 =	srdreg.scid  }
0x5: {  	s13 =	stileid.u32;
	s28 =	simm.s32 $0x2;
	s30 =	simm.s32 $0xDC00  }
0x6: {  	s31 =	simm.s32 $0x5;
	s4 =	sand.u32 $0x1, s4;
	s6 =	sshll.u32 s13, $0x1  }
0x7: {  	[smem:$0x7FF] =	sst s5;
	s7 =	sadd.s32 $0x6200, s3;
	s6 =	sor.u32 s4, s6  }
0x8: {  	_ =	strace $0x80000047;
	s8 =	ssub.s32 $0x2, s4;
	s10 =	sshll.u32 s6, $0x4  }
0x9: {  	s4 =	sshll.u32 s4, $0xC;
	[dreg:$0x19] =	wrdreg s6;
	s11 =	sadd.s32 s2, s10  }
0xa: {  	s9 =	sshrl.u32 s8, $0x1;
	s23 =	sadd.s32 s7, s10;
	[dreg:$0x5] =	wrdreg s11  }
0xb: {  	s22 =	sshll.u32 s6, $0xC;
	s24 =	sadd.s32 s3, s10;
	[dreg:$0x6] =	wrdreg s23  }
0xc: {  	s25 =	sor.u32 $0x200, s10;
	s20 =	sadd.s32 s0, s22;
	[dreg:$0x7] =	wrdreg s24  }
0xd: {  	s16 =	smin.u32 s6, $0x1A;
	s12 =	sadd.s32 s2, s25;
	[dreg:$0x11] =	wrdreg s20  }
0xe: {  	s6 =	simm.s32 $0xF400;
	s26 =	sadd.s32 s7, s25;
	[dreg:$0x8] =	wrdreg s12  }
0xf: {  	s29 =	sor.u32 $0x400, s10;
	s11 =	sadd.s32 s3, s25;
	[dreg:$0x9] =	wrdreg s26  }
0x10: {  	s8 =	ssub.s32 s8, s9;
	s15 =	sadd.s32 s2, s29;
	[dreg:$0xa] =	wrdreg s11  }
0x11: {  	s10 =	sor.u32 $0x600, s10;
	s14 =	sadd.s32 s7, s29;
	[dreg:$0xb] =	wrdreg s15  }
0x12: {  	s22 =	sshll.u32 s13, $0xD;
	s17 =	sadd.s32 s2, s10;
	[dreg:$0xc] =	wrdreg s14  }
0x13: {  	s13 =	simm.s32 $0x8C00;
	s18 =	sadd.s32 s7, s10;
	[dreg:$0xe] =	wrdreg s17  }
0x14: {  	s10 =	sadd.s32 s3, s10;
	s23 =	sadd.s32 $0x6198, s2;
	[dreg:$0xf] =	wrdreg s18  }
0x15: {  	s24 =	sadd.s32 $0xC398, s3;
	s25 =	smax.u32 s8, $0x1;
	[dreg:$0x10] =	wrdreg s10  }
0x16: {  	s8 =	simm.s32 $0x1;
	s2 =	simm.s32 $0x0;
	[dreg:$0x13] =	wrdreg s23  }
0x17: {  	s11 =	sshll.u32 s16, $0x7;
	s12 =	sadd.s32 s3, s29;
	[dreg:$0x14] =	wrdreg s24  }
0x18: {  	[dreg:$0x15] =	wrdreg s25;
	s26 =	sadd.s32 $0x6198, s3;
	s29 =	sadd.s32 $0x5E0000, s20  }
0x19: {  	s15 =	simm.s32 $0x80;
	s14 =	simm.s32 $0x180;
	s16 =	simm.s32 $0x9400  }
0x1a: {  	s17 =	simm.s32 $0x9C00;
	s18 =	simm.s32 $0xA400;
	s20 =	simm.s32 $0xB400  }
0x1b: {  	s23 =	simm.s32 $0xCC00;
	s24 =	simm.s32 $0xD400;
	s3 =	simm.s32 $0xEC00  }
0x1c: {  	s25 =	simm.s32 $0xFC00;
	[dreg:$0xd] =	wrdreg s12;
	s11 =	sor.u32 $0x30000, s11  }
0x1d: {  	s10 =	simm.s32 $0x3;
	[dreg:$0x17] =	wrdreg s26;
	s19 =	smin.u32 s11, $0x30CC0  }
0x1e: {  	[dreg:$0x18] =	wrdreg s29;
	s11 =	simm.s32 $0x4;
	s21 =	sshll.u32 s19, $0x5  }
0x1f: {  	s19 =	simm.s32 $0xAC00;
	s9 =	sadd.s32 s0, s21;
	s0 =	sadd.s32 s22, s0  }
0x20: {  	v2 =	vlaneseq.u32;
	s21 =	simm.s32 $0xBC00;
	s22 =	simm.s32 $0xC400;
	s0 =	sadd.s32 s4, s0  }
0x21: {  	vm0 =	vmmov $0xffff;
	v1 =	vshrl.u32 v2, $0x3;
	[dreg:$0x12] =	wrdreg s9;
	s9 =	simm.s32 $0x8400;
	s0 =	sadd.s32 $0x20000, s0  }
0x22: {  	v0 =	vand.u32 $0x7, v2;
	v2 =	vor.u32 $0x8, v2;
	v1 =	vmul.u32 $0x8, v1;
	s4 =	simm.s32 $0x6;
	[dreg:$0x16] =	wrdreg s0;
	s0 =	simm.s32 $0x280  }
.LBB2_1:
0x23: {  	[dreg:$0x1a] =	wrdreg s2  }
0x24: {  	s12 =	rddreg [dreg:$0x5]  }
0x25: {  	[tilespmem:s5], [sflag:$0x1] =	stream.linear.gather [hbm4b:s12+s5], $0x80, $0x38;
	[tilespmem:$0x10400] =	vst v63  }
0x26: {  	s2 =	rddreg [dreg:$0x6];
	s26 =	simm.s32 $0x100  }
0x27: {  	[tilespmem:s26], [sflag:$0x1] =	stream.linear.gather [hbm4b:s2+s5], $0x80, $0x38;
	[tilespmem:$0x10400] =	vst v63  }
0x28: {  	s29 =	simm.s32 $0x200;
	s2 =	rddreg [dreg:$0x7]  }
0x29: {  	[tilespmem:s29], [sflag:$0x1] =	stream.linear.gather [hbm4b:s2+s5], $0x80, $0x38;
	[tilespmem:$0x10400] =	vst v63  }
0x2a: {  	s2 =	rddreg [dreg:$0x8]  }
0x2b: {  	[tilespmem:s15], [sflag:$0x2] =	stream.linear.gather [hbm4b:s2+s5], $0x80, $0x38;
	[tilespmem:$0x10400] =	vst v63  }
0x2c: {  	s2 =	rddreg [dreg:$0x9]  }
0x2d: {  	[tilespmem:s14], [sflag:$0x2] =	stream.linear.gather [hbm4b:s2+s5], $0x80, $0x38;
	[tilespmem:$0x10400] =	vst v63  }
0x2e: {  	s2 =	rddreg [dreg:$0xa]  }
0x2f: {  	[tilespmem:s0], [sflag:$0x2] =	stream.linear.gather [hbm4b:s2+s5], $0x80, $0x38;
	[tilespmem:$0x10400] =	vst v63  }
0x30: {  	_ =	swait.ge [sflag:s8], $0x80  }
0x31: {  	[sflag:s8] =	ssyncset.done $0x0  }
0x32: {  	[sflag:s8] =	ssyncadd.s32 $0xFFFFFF80  }
0x33: {  	_ =	swait.ge [sflag:s8], $0x80  }
0x34: {  	[sflag:s8] =	ssyncset.done $0x0  }
0x35: {  	[sflag:s8] =	ssyncadd.s32 $0xFFFFFF80  }
0x36: {  	_ =	swait.ge [sflag:s8], $0x80  }
0x37: {  	[sflag:s8] =	ssyncset.done $0x0  }
0x38: {  	[sflag:s8] =	ssyncadd.s32 $0xFFFFFF80  }
0x39: {  	v3 =	vld [tilespmem:$0x0]  }
0x3a: {  	v4 =	vld [tilespmem:$0x100]  }
0x3b: {  	v5 =	vld [tilespmem:$0x200]  }
0x3c: {  	v6 =	vld [tilespmem:$0x10]  }
0x3d: {  	v7 =	vld [tilespmem:$0x110]  }
0x3e: {  	v8 =	vld [tilespmem:$0x210]  }
0x3f: {  	v9 =	vld [tilespmem:$0x20]  }
0x40: {  	v10 =	vld [tilespmem:$0x120]  }
0x41: {  	v11 =	vld [tilespmem:$0x220]  }
0x42: {  	v12 =	vld [tilespmem:$0x30]  }
0x43: {  	v13 =	vld [tilespmem:$0x130]  }
0x44: {  	v14 =	vld [tilespmem:$0x230]  }
0x45: {  	v15 =	vld [tilespmem:$0x40]  }
0x46: {  	v16 =	vld [tilespmem:$0x140]  }
0x47: {  	v17 =	vld [tilespmem:$0x240]  }
0x48: {  	v18 =	vld [tilespmem:$0x50]  }
0x49: {  	v19 =	vld [tilespmem:$0x150]  }
0x4a: {  	v20 =	vld [tilespmem:$0x250]  }
0x4b: {  	v21 =	vld [tilespmem:$0x60];
	v3 =	vshll.u32 v3, $0xC  }
0x4c: {  	v30 =	vld [tilespmem:$0x160];
	v5 =	vshll.u32 v5, $0x6;
	v29 =	vshll.u32 v6, $0xC;
	v31 =	vshll.u32 v8, $0x6  }
0x4d: {  	v32 =	vld [tilespmem:$0x260];
	v33 =	vshll.u32 v9, $0xC;
	v34 =	vshll.u32 v11, $0x6;
	v35 =	vshll.u32 v12, $0xC  }
0x4e: {  	v36 =	vld [tilespmem:$0x70];
	v37 =	vshll.u32 v14, $0x6;
	v42 =	vshll.u32 v17, $0x6;
	v3 =	vadd.s32 v3, v4  }
0x4f: {  	v38 =	vld [tilespmem:$0x170];
	v43 =	vshll.u32 v18, $0xC;
	v4 =	vadd.s32 v29, v7;
	v3 =	vadd.s32 v5, v3  }
0x50: {  	v41 =	vld [tilespmem:$0x270];
	v44 =	vshll.u32 v20, $0x6;
	v8 =	vadd.s32 v33, v10;
	[tilespmem:$0x300] =	vst v3;
	v3 =	vadd.s32 v31, v4  }
0x51: {  	v11 =	vadd.s32 v35, v13;
	v39 =	vadd.s32 v34, v8;
	[tilespmem:$0x310] =	vst v3;
	v3 =	vshll.u32 v15, $0xC  }
0x52: {  	v45 =	vshll.u32 v21, $0xC;
	v40 =	vadd.s32 v37, v11;
	[tilespmem:$0x320] =	vst v39;
	v3 =	vadd.s32 v3, v16  }
0x53: {  	v46 =	vshll.u32 v36, $0xC;
	v10 =	vadd.s32 v43, v19;
	[tilespmem:$0x330] =	vst v40;
	v3 =	vadd.s32 v42, v3  }
0x54: {  	v5 =	vadd.s32 v45, v30;
	v4 =	vadd.s32 v44, v10;
	[tilespmem:$0x340] =	vst v3;
	v3 =	vshll.u32 v32, $0x6  }
0x55: {  	v47 =	vshll.u32 v41, $0x6;
	v48 =	vadd.s32 v46, v38;
	[tilespmem:$0x350] =	vst v4;
	v3 =	vadd.s32 v3, v5  }
0x56: {  	[tilespmem:$0x360] =	vst v3;
	v3 =	vadd.s32 v47, v48  }
0x57: {  	s2 =	rddreg [dreg:$0xb];
	[tilespmem:$0x370] =	vst v3  }
0x58: {  	[tilespmem:s5], [sflag:$0x1] =	stream.linear.gather [hbm4b:s2+s5], $0x80, $0x38;
	[tilespmem:$0x10400] =	vst v63  }
0x59: {  	s2 =	rddreg [dreg:$0xc]  }
0x5a: {  	[tilespmem:s26], [sflag:$0x1] =	stream.linear.gather [hbm4b:s2+s5], $0x80, $0x38;
	[tilespmem:$0x10400] =	vst v63  }
0x5b: {  	s2 =	rddreg [dreg:$0xd]  }
0x5c: {  	[tilespmem:s29], [sflag:$0x1] =	stream.linear.gather [hbm4b:s2+s5], $0x80, $0x38;
	[tilespmem:$0x10400] =	vst v63  }
0x5d: {  	v3 =	vld [tilespmem:$0x300];
	_ =	sdelay $0x4  }
0x5e: {  	v49 =	vshll.u32 v3, $0x1  }
0x5f: {  	v3 =	vand.u32 $0x7, v3;
	v4 =	vand.u32 $0xFFFFFFF0, v49  }
0x60: {  	v3 =	vor.u32 v3, v4  }
0x61: {  	v4 =	vperm.xlane v3, v0;
	_ =	sdelay $0x1  }
0x62: {  	v3 =	vperm.xlane v3, v2;
	v4 =	vadd.s32 v1, v4;
	_ =	sdelay $0x1  }
0x63: {  	v3 =	vadd.s32 v1, v3;
	_ =	sdelay $0x1  }
0x64: {  	s2 =	simm.s32 $0x400  }
0x65: {  	[tilespmem:s2], [sflag:$0x3] =	stream.indirect_vreg.gather [hbm4b:s1+s5], $0x80, v4, vm0, $0xb8;
	[tilespmem:$0x10400] =	vst v63  }
0x66: {  	s26 =	simm.s32 $0xC00  }
0x67: {  	[tilespmem:s26], [sflag:$0x3] =	stream.indirect_vreg.gather [hbm4b:s1+s5], $0x80, v3, vm0, $0xb8;
	[tilespmem:$0x10400] =	vst v63  }
0x68: {  	v3 =	vld [tilespmem:$0x310];
	_ =	sdelay $0x4  }
0x69: {  	v50 =	vshll.u32 v3, $0x1  }
0x6a: {  	v3 =	vand.u32 $0x7, v3;
	v4 =	vand.u32 $0xFFFFFFF0, v50  }
0x6b: {  	v3 =	vor.u32 v3, v4  }
0x6c: {  	v4 =	vperm.xlane v3, v0;
	_ =	sdelay $0x1  }
0x6d: {  	v3 =	vperm.xlane v3, v2;
	v4 =	vadd.s32 v1, v4;
	_ =	sdelay $0x1  }
0x6e: {  	v3 =	vadd.s32 v1, v3;
	_ =	sdelay $0x1  }
0x6f: {  	s26 =	simm.s32 $0x1400  }
0x70: {  	[tilespmem:s26], [sflag:$0x3] =	stream.indirect_vreg.gather [hbm4b:s1+s5], $0x80, v4, vm0, $0xb8;
	[tilespmem:$0x10400] =	vst v63  }
0x71: {  	s26 =	simm.s32 $0x1C00  }
0x72: {  	[tilespmem:s26], [sflag:$0x3] =	stream.indirect_vreg.gather [hbm4b:s1+s5], $0x80, v3, vm0, $0xb8;
	[tilespmem:$0x10400] =	vst v63  }
0x73: {  	v3 =	vld [tilespmem:$0x320];
	_ =	sdelay $0x4  }
0x74: {  	v51 =	vshll.u32 v3, $0x1  }
0x75: {  	v3 =	vand.u32 $0x7, v3;
	v4 =	vand.u32 $0xFFFFFFF0, v51  }
0x76: {  	v3 =	vor.u32 v3, v4  }
0x77: {  	v4 =	vperm.xlane v3, v0;
	_ =	sdelay $0x1  }
0x78: {  	v3 =	vperm.xlane v3, v2;
	v4 =	vadd.s32 v1, v4;
	_ =	sdelay $0x1  }
0x79: {  	v3 =	vadd.s32 v1, v3;
	_ =	sdelay $0x1  }
0x7a: {  	s26 =	simm.s32 $0x2400  }
0x7b: {  	[tilespmem:s26], [sflag:$0x3] =	stream.indirect_vreg.gather [hbm4b:s1+s5], $0x80, v4, vm0, $0xb8;
	[tilespmem:$0x10400] =	vst v63  }
0x7c: {  	s26 =	simm.s32 $0x2C00  }
0x7d: {  	[tilespmem:s26], [sflag:$0x3] =	stream.indirect_vreg.gather [hbm4b:s1+s5], $0x80, v3, vm0, $0xb8;
	[tilespmem:$0x10400] =	vst v63  }
0x7e: {  	v3 =	vld [tilespmem:$0x330];
	_ =	sdelay $0x4  }
0x7f: {  	v52 =	vshll.u32 v3, $0x1  }
0x80: {  	v3 =	vand.u32 $0x7, v3;
	v4 =	vand.u32 $0xFFFFFFF0, v52  }
0x81: {  	v3 =	vor.u32 v3, v4  }
0x82: {  	v4 =	vperm.xlane v3, v0;
	_ =	sdelay $0x1  }
0x83: {  	v3 =	vperm.xlane v3, v2;
	v4 =	vadd.s32 v1, v4;
	_ =	sdelay $0x1  }
0x84: {  	v3 =	vadd.s32 v1, v3;
	_ =	sdelay $0x1  }
0x85: {  	s26 =	simm.s32 $0x3400  }
0x86: {  	[tilespmem:s26], [sflag:$0x3] =	stream.indirect_vreg.gather [hbm4b:s1+s5], $0x80, v4, vm0, $0xb8;
	[tilespmem:$0x10400] =	vst v63  }
0x87: {  	s26 =	simm.s32 $0x3C00  }
0x88: {  	[tilespmem:s26], [sflag:$0x3] =	stream.indirect_vreg.gather [hbm4b:s1+s5], $0x80, v3, vm0, $0xb8;
	[tilespmem:$0x10400] =	vst v63  }
0x89: {  	v3 =	vld [tilespmem:$0x340];
	_ =	sdelay $0x4  }
0x8a: {  	v53 =	vshll.u32 v3, $0x1  }
0x8b: {  	v3 =	vand.u32 $0x7, v3;
	v4 =	vand.u32 $0xFFFFFFF0, v53  }
0x8c: {  	v3 =	vor.u32 v3, v4  }
0x8d: {  	v4 =	vperm.xlane v3, v0;
	_ =	sdelay $0x1  }
0x8e: {  	v3 =	vperm.xlane v3, v2;
	v4 =	vadd.s32 v1, v4;
	_ =	sdelay $0x1  }
0x8f: {  	v3 =	vadd.s32 v1, v3;
	_ =	sdelay $0x1  }
0x90: {  	s26 =	simm.s32 $0x4400  }
0x91: {  	[tilespmem:s26], [sflag:$0x3] =	stream.indirect_vreg.gather [hbm4b:s1+s5], $0x80, v4, vm0, $0xb8;
	[tilespmem:$0x10400] =	vst v63  }
0x92: {  	s26 =	simm.s32 $0x4C00  }
0x93: {  	[tilespmem:s26], [sflag:$0x3] =	stream.indirect_vreg.gather [hbm4b:s1+s5], $0x80, v3, vm0, $0xb8;
	[tilespmem:$0x10400] =	vst v63  }
0x94: {  	v3 =	vld [tilespmem:$0x350];
	_ =	sdelay $0x4  }
0x95: {  	v54 =	vshll.u32 v3, $0x1  }
0x96: {  	v3 =	vand.u32 $0x7, v3;
	v4 =	vand.u32 $0xFFFFFFF0, v54  }
0x97: {  	v3 =	vor.u32 v3, v4  }
0x98: {  	v4 =	vperm.xlane v3, v0;
	_ =	sdelay $0x1  }
0x99: {  	v3 =	vperm.xlane v3, v2;
	v4 =	vadd.s32 v1, v4;
	_ =	sdelay $0x1  }
0x9a: {  	v3 =	vadd.s32 v1, v3;
	_ =	sdelay $0x1  }
0x9b: {  	s26 =	simm.s32 $0x5400  }
0x9c: {  	[tilespmem:s26], [sflag:$0x3] =	stream.indirect_vreg.gather [hbm4b:s1+s5], $0x80, v4, vm0, $0xb8;
	[tilespmem:$0x10400] =	vst v63  }
0x9d: {  	s26 =	simm.s32 $0x5C00  }
0x9e: {  	[tilespmem:s26], [sflag:$0x3] =	stream.indirect_vreg.gather [hbm4b:s1+s5], $0x80, v3, vm0, $0xb8;
	[tilespmem:$0x10400] =	vst v63  }
0x9f: {  	v3 =	vld [tilespmem:$0x360];
	_ =	sdelay $0x4  }
0xa0: {  	v55 =	vshll.u32 v3, $0x1  }
0xa1: {  	v3 =	vand.u32 $0x7, v3;
	v4 =	vand.u32 $0xFFFFFFF0, v55  }
0xa2: {  	v3 =	vor.u32 v3, v4  }
0xa3: {  	v4 =	vperm.xlane v3, v0;
	_ =	sdelay $0x1  }
0xa4: {  	v3 =	vperm.xlane v3, v2;
	v4 =	vadd.s32 v1, v4;
	_ =	sdelay $0x1  }
0xa5: {  	v3 =	vadd.s32 v1, v3;
	_ =	sdelay $0x1  }
0xa6: {  	s26 =	simm.s32 $0x6400  }
0xa7: {  	[tilespmem:s26], [sflag:$0x3] =	stream.indirect_vreg.gather [hbm4b:s1+s5], $0x80, v4, vm0, $0xb8;
	[tilespmem:$0x10400] =	vst v63  }
0xa8: {  	s26 =	simm.s32 $0x6C00  }
0xa9: {  	[tilespmem:s26], [sflag:$0x3] =	stream.indirect_vreg.gather [hbm4b:s1+s5], $0x80, v3, vm0, $0xb8;
	[tilespmem:$0x10400] =	vst v63  }
0xaa: {  	v3 =	vld [tilespmem:$0x370];
	_ =	sdelay $0x4  }
0xab: {  	v56 =	vshll.u32 v3, $0x1  }
0xac: {  	v3 =	vand.u32 $0x7, v3;
	v4 =	vand.u32 $0xFFFFFFF0, v56  }
0xad: {  	v3 =	vor.u32 v3, v4  }
0xae: {  	v4 =	vperm.xlane v3, v0;
	_ =	sdelay $0x1  }
0xaf: {  	v3 =	vperm.xlane v3, v2;
	v4 =	vadd.s32 v1, v4;
	_ =	sdelay $0x1  }
0xb0: {  	v3 =	vadd.s32 v1, v3;
	_ =	sdelay $0x1  }
0xb1: {  	s26 =	simm.s32 $0x7400  }
0xb2: {  	[tilespmem:s26], [sflag:$0x3] =	stream.indirect_vreg.gather [hbm4b:s1+s5], $0x80, v4, vm0, $0xb8;
	[tilespmem:$0x10400] =	vst v63  }
0xb3: {  	s26 =	simm.s32 $0x7C00  }
0xb4: {  	[tilespmem:s26], [sflag:$0x3] =	stream.indirect_vreg.gather [hbm4b:s1+s5], $0x80, v3, vm0, $0xb8;
	[tilespmem:$0x10400] =	vst v63  }
0xb5: {  	_ =	swait.ge [sflag:s28], $0x80  }
0xb6: {  	[sflag:s28] =	ssyncset.done $0x0  }
0xb7: {  	[sflag:s28] =	ssyncadd.s32 $0xFFFFFF80  }
0xb8: {  	_ =	swait.ge [sflag:s28], $0x80  }
0xb9: {  	[sflag:s28] =	ssyncset.done $0x0  }
0xba: {  	[sflag:s28] =	ssyncadd.s32 $0xFFFFFF80  }
0xbb: {  	_ =	swait.ge [sflag:s28], $0x80  }
0xbc: {  	[sflag:s28] =	ssyncset.done $0x0  }
0xbd: {  	[sflag:s28] =	ssyncadd.s32 $0xFFFFFF80  }
0xbe: {  	v3 =	vld [tilespmem:$0x80]  }
0xbf: {  	v57 =	vld [tilespmem:$0x180]  }
0xc0: {  	v58 =	vld [tilespmem:$0x280]  }
0xc1: {  	v59 =	vld [tilespmem:$0x90]  }
0xc2: {  	v60 =	vld [tilespmem:$0x190]  }
0xc3: {  	v61 =	vld [tilespmem:$0x290]  }
0xc4: {  	v62 =	vld [tilespmem:$0xA0]  }
0xc5: {  	v63 =	vld [tilespmem:$0x1A0]  }
0xc6: {  	v24 =	vld [tilespmem:$0x2A0]  }
0xc7: {  	v25 =	vld [tilespmem:$0xB0]  }
0xc8: {  	v26 =	vld [tilespmem:$0x1B0]  }
0xc9: {  	v27 =	vld [tilespmem:$0x2B0]  }
0xca: {  	v28 =	vld [tilespmem:$0xC0]  }
0xcb: {  	v29 =	vld [tilespmem:$0x1C0]  }
0xcc: {  	v30 =	vld [tilespmem:$0x2C0]  }
0xcd: {  	v31 =	vld [tilespmem:$0xD0]  }
0xce: {  	v32 =	vld [tilespmem:$0x1D0]  }
0xcf: {  	v33 =	vld [tilespmem:$0x2D0]  }
0xd0: {  	v34 =	vld [tilespmem:$0xE0];
	v3 =	vshll.u32 v3, $0xC  }
0xd1: {  	v36 =	vld [tilespmem:$0x1E0];
	v5 =	vshll.u32 v58, $0x6;
	v35 =	vshll.u32 v59, $0xC;
	v37 =	vshll.u32 v62, $0xC  }
0xd2: {  	v38 =	vld [tilespmem:$0x2E0];
	v8 =	vshll.u32 v61, $0x6;
	v39 =	vshll.u32 v24, $0x6;
	v41 =	vshll.u32 v25, $0xC  }
0xd3: {  	v40 =	vld [tilespmem:$0xF0];
	v43 =	vshll.u32 v28, $0xC;
	v46 =	vshll.u32 v31, $0xC;
	v3 =	vadd.s32 v3, v57  }
0xd4: {  	v42 =	vld [tilespmem:$0x1F0];
	v48 =	vshll.u32 v30, $0x6;
	v4 =	vadd.s32 v35, v60;
	v3 =	vadd.s32 v5, v3  }
0xd5: {  	v44 =	vld [tilespmem:$0x2F0];
	v49 =	vshll.u32 v33, $0x6;
	v47 =	vadd.s32 v46, v32;
	v4 =	vadd.s32 v8, v4;
	[tilespmem:$0x380] =	vst v3  }
0xd6: {  	v8 =	vadd.s32 v41, v26;
	v50 =	vadd.s32 v49, v47;
	v3 =	vshll.u32 v27, $0x6;
	[tilespmem:$0x390] =	vst v4  }
0xd7: {  	v51 =	vshll.u32 v34, $0xC;
	v45 =	vadd.s32 v43, v29;
	[tilespmem:$0x3D0] =	vst v50;
	v3 =	vadd.s32 v3, v8  }
0xd8: {  	v52 =	vshll.u32 v38, $0x6;
	v5 =	vadd.s32 v37, v63;
	[tilespmem:$0x3B0] =	vst v3;
	v3 =	vadd.s32 v48, v45  }
0xd9: {  	v53 =	vshll.u32 v40, $0xC;
	v5 =	vadd.s32 v39, v5;
	[tilespmem:$0x3C0] =	vst v3;
	v3 =	vadd.s32 v51, v36  }
0xda: {  	v55 =	vshll.u32 v44, $0x6;
	v54 =	vadd.s32 v53, v42;
	[tilespmem:$0x3A0] =	vst v5;
	v3 =	vadd.s32 v52, v3  }
0xdb: {  	[tilespmem:$0x3E0] =	vst v3;
	v3 =	vadd.s32 v55, v54  }
0xdc: {  	s26 =	rddreg [dreg:$0xe];
	[tilespmem:$0x3F0] =	vst v3  }
0xdd: {  	[tilespmem:s15], [sflag:$0x2] =	stream.linear.gather [hbm4b:s26+s5], $0x80, $0x38;
	[tilespmem:$0x10400] =	vst v63  }
0xde: {  	s26 =	rddreg [dreg:$0xf]  }
0xdf: {  	[tilespmem:s14], [sflag:$0x2] =	stream.linear.gather [hbm4b:s26+s5], $0x80, $0x38;
	[tilespmem:$0x10400] =	vst v63  }
0xe0: {  	s15 =	rddreg [dreg:$0x10]  }
0xe1: {  	[tilespmem:s0], [sflag:$0x2] =	stream.linear.gather [hbm4b:s15+s5], $0x80, $0x38;
	[tilespmem:$0x10400] =	vst v63  }
0xe2: {  	v3 =	vld [tilespmem:$0x380];
	_ =	sdelay $0x4  }
0xe3: {  	v56 =	vshll.u32 v3, $0x1  }
0xe4: {  	v3 =	vand.u32 $0x7, v3;
	v4 =	vand.u32 $0xFFFFFFF0, v56  }
0xe5: {  	v3 =	vor.u32 v3, v4  }
0xe6: {  	v4 =	vperm.xlane v3, v0;
	_ =	sdelay $0x1  }
0xe7: {  	v3 =	vperm.xlane v3, v2;
	v4 =	vadd.s32 v1, v4;
	_ =	sdelay $0x1  }
0xe8: {  	v3 =	vadd.s32 v1, v3;
	_ =	sdelay $0x2  }
0xe9: {  	[tilespmem:s9], [sflag:$0x4] =	stream.indirect_vreg.gather [hbm4b:s1+s5], $0x80, v4, vm0, $0xb8;
	[tilespmem:$0x10400] =	vst v63  }
0xea: {  	_ = 	snop  }
0xeb: {  	[tilespmem:s13], [sflag:$0x4] =	stream.indirect_vreg.gather [hbm4b:s1+s5], $0x80, v3, vm0, $0xb8;
	[tilespmem:$0x10400] =	vst v63  }
0xec: {  	v3 =	vld [tilespmem:$0x390];
	_ =	sdelay $0x4  }
0xed: {  	v57 =	vshll.u32 v3, $0x1  }
0xee: {  	v3 =	vand.u32 $0x7, v3;
	v4 =	vand.u32 $0xFFFFFFF0, v57  }
0xef: {  	v3 =	vor.u32 v3, v4  }
0xf0: {  	v4 =	vperm.xlane v3, v0;
	_ =	sdelay $0x1  }
0xf1: {  	v3 =	vperm.xlane v3, v2;
	v4 =	vadd.s32 v1, v4;
	_ =	sdelay $0x1  }
0xf2: {  	v3 =	vadd.s32 v1, v3;
	_ =	sdelay $0x2  }
0xf3: {  	[tilespmem:s16], [sflag:$0x4] =	stream.indirect_vreg.gather [hbm4b:s1+s5], $0x80, v4, vm0, $0xb8;
	[tilespmem:$0x10400] =	vst v63  }
0xf4: {  	_ = 	snop  }
0xf5: {  	[tilespmem:s17], [sflag:$0x4] =	stream.indirect_vreg.gather [hbm4b:s1+s5], $0x80, v3, vm0, $0xb8;
	[tilespmem:$0x10400] =	vst v63  }
0xf6: {  	v3 =	vld [tilespmem:$0x3A0];
	_ =	sdelay $0x4  }
0xf7: {  	v58 =	vshll.u32 v3, $0x1  }
0xf8: {  	v3 =	vand.u32 $0x7, v3;
	v4 =	vand.u32 $0xFFFFFFF0, v58  }
0xf9: {  	v3 =	vor.u32 v3, v4  }
0xfa: {  	v4 =	vperm.xlane v3, v0;
	_ =	sdelay $0x1  }
0xfb: {  	v3 =	vperm.xlane v3, v2;
	v4 =	vadd.s32 v1, v4;
	_ =	sdelay $0x1  }
0xfc: {  	v3 =	vadd.s32 v1, v3;
	_ =	sdelay $0x2  }
0xfd: {  	[tilespmem:s18], [sflag:$0x4] =	stream.indirect_vreg.gather [hbm4b:s1+s5], $0x80, v4, vm0, $0xb8;
	[tilespmem:$0x10400] =	vst v63  }
0xfe: {  	_ = 	snop  }
0xff: {  	[tilespmem:s19], [sflag:$0x4] =	stream.indirect_vreg.gather [hbm4b:s1+s5], $0x80, v3, vm0, $0xb8;
	[tilespmem:$0x10400] =	vst v63  }
0x100: {  	v3 =	vld [tilespmem:$0x3B0];
	_ =	sdelay $0x4  }
0x101: {  	v59 =	vshll.u32 v3, $0x1  }
0x102: {  	v3 =	vand.u32 $0x7, v3;
	v4 =	vand.u32 $0xFFFFFFF0, v59  }
0x103: {  	v3 =	vor.u32 v3, v4  }
0x104: {  	v4 =	vperm.xlane v3, v0;
	_ =	sdelay $0x1  }
0x105: {  	v3 =	vperm.xlane v3, v2;
	v4 =	vadd.s32 v1, v4;
	_ =	sdelay $0x1  }
0x106: {  	v3 =	vadd.s32 v1, v3;
	_ =	sdelay $0x2  }
0x107: {  	[tilespmem:s20], [sflag:$0x4] =	stream.indirect_vreg.gather [hbm4b:s1+s5], $0x80, v4, vm0, $0xb8;
	[tilespmem:$0x10400] =	vst v63  }
0x108: {  	_ = 	snop  }
0x109: {  	[tilespmem:s21], [sflag:$0x4] =	stream.indirect_vreg.gather [hbm4b:s1+s5], $0x80, v3, vm0, $0xb8;
	[tilespmem:$0x10400] =	vst v63  }
0x10a: {  	v3 =	vld [tilespmem:$0x3C0];
	_ =	sdelay $0x4  }
0x10b: {  	v60 =	vshll.u32 v3, $0x1  }
0x10c: {  	v3 =	vand.u32 $0x7, v3;
	v4 =	vand.u32 $0xFFFFFFF0, v60  }
0x10d: {  	v3 =	vor.u32 v3, v4  }
0x10e: {  	v4 =	vperm.xlane v3, v0;
	_ =	sdelay $0x1  }
0x10f: {  	v3 =	vperm.xlane v3, v2;
	v4 =	vadd.s32 v1, v4;
	_ =	sdelay $0x1  }
0x110: {  	v3 =	vadd.s32 v1, v3;
	_ =	sdelay $0x2  }
0x111: {  	[tilespmem:s22], [sflag:$0x4] =	stream.indirect_vreg.gather [hbm4b:s1+s5], $0x80, v4, vm0, $0xb8;
	[tilespmem:$0x10400] =	vst v63  }
0x112: {  	_ = 	snop  }
0x113: {  	[tilespmem:s23], [sflag:$0x4] =	stream.indirect_vreg.gather [hbm4b:s1+s5], $0x80, v3, vm0, $0xb8;
	[tilespmem:$0x10400] =	vst v63  }
0x114: {  	v3 =	vld [tilespmem:$0x3D0];
	_ =	sdelay $0x4  }
0x115: {  	v61 =	vshll.u32 v3, $0x1  }
0x116: {  	v3 =	vand.u32 $0x7, v3;
	v4 =	vand.u32 $0xFFFFFFF0, v61  }
0x117: {  	v3 =	vor.u32 v3, v4  }
0x118: {  	v4 =	vperm.xlane v3, v0;
	_ =	sdelay $0x1  }
0x119: {  	v3 =	vperm.xlane v3, v2;
	v4 =	vadd.s32 v1, v4;
	_ =	sdelay $0x1  }
0x11a: {  	v3 =	vadd.s32 v1, v3;
	_ =	sdelay $0x2  }
0x11b: {  	[tilespmem:s24], [sflag:$0x4] =	stream.indirect_vreg.gather [hbm4b:s1+s5], $0x80, v4, vm0, $0xb8;
	[tilespmem:$0x10400] =	vst v63  }
0x11c: {  	_ = 	snop  }
0x11d: {  	[tilespmem:s30], [sflag:$0x4] =	stream.indirect_vreg.gather [hbm4b:s1+s5], $0x80, v3, vm0, $0xb8;
	[tilespmem:$0x10400] =	vst v63  }
0x11e: {  	v3 =	vld [tilespmem:$0x3E0];
	_ =	sdelay $0x4  }
0x11f: {  	v62 =	vshll.u32 v3, $0x1  }
0x120: {  	v3 =	vand.u32 $0x7, v3;
	v4 =	vand.u32 $0xFFFFFFF0, v62  }
0x121: {  	v3 =	vor.u32 v3, v4  }
0x122: {  	v4 =	vperm.xlane v3, v0;
	_ =	sdelay $0x1  }
0x123: {  	v3 =	vperm.xlane v3, v2;
	v4 =	vadd.s32 v1, v4;
	_ =	sdelay $0x1  }
0x124: {  	v3 =	vadd.s32 v1, v3;
	_ =	sdelay $0x1  }
0x125: {  	s26 =	simm.s32 $0xE400  }
0x126: {  	[tilespmem:s26], [sflag:$0x4] =	stream.indirect_vreg.gather [hbm4b:s1+s5], $0x80, v4, vm0, $0xb8;
	[tilespmem:$0x10400] =	vst v63  }
0x127: {  	_ = 	snop  }
0x128: {  	[tilespmem:s3], [sflag:$0x4] =	stream.indirect_vreg.gather [hbm4b:s1+s5], $0x80, v3, vm0, $0xb8;
	[tilespmem:$0x10400] =	vst v63  }
0x129: {  	v3 =	vld [tilespmem:$0x3F0];
	_ =	sdelay $0x4  }
0x12a: {  	v63 =	vshll.u32 v3, $0x1  }
0x12b: {  	v3 =	vand.u32 $0x7, v3;
	v4 =	vand.u32 $0xFFFFFFF0, v63  }
0x12c: {  	v3 =	vor.u32 v3, v4  }
0x12d: {  	v4 =	vperm.xlane v3, v0;
	_ =	sdelay $0x1  }
0x12e: {  	v3 =	vperm.xlane v3, v2;
	v4 =	vadd.s32 v1, v4;
	_ =	sdelay $0x1  }
0x12f: {  	v3 =	vadd.s32 v1, v3;
	_ =	sdelay $0x2  }
0x130: {  	[tilespmem:s6], [sflag:$0x4] =	stream.indirect_vreg.gather [hbm4b:s1+s5], $0x80, v4, vm0, $0xb8;
	[tilespmem:$0x10400] =	vst v63  }
0x131: {  	_ = 	snop  }
0x132: {  	[tilespmem:s25], [sflag:$0x4] =	stream.indirect_vreg.gather [hbm4b:s1+s5], $0x80, v3, vm0, $0xb8;
	[tilespmem:$0x10400] =	vst v63  }
0x133: {  	s29 =	simm.s32 $0xF400;
	s16 =	simm.s32 $0x8C00;
	_ =	swait.ge [sflag:s10], $0x8000  }
0x134: {  	s17 =	simm.s32 $0xFC00;
	s18 =	simm.s32 $0x9C00;
	s30 =	rddreg [dreg:$0x11]  }
0x135: {  	s19 =	simm.s32 $0xA400;
	[sflag:s10] =	ssyncset.done $0x0;
	s12 =	rddreg [dreg:$0x16]  }
0x136: {  	s20 =	simm.s32 $0x0;
	s25 =	rddreg [dreg:$0x19];
	[sflag:s10] =	ssyncadd.s32 $0xFFFF8000  }
0x137: {  	[hbm4b:s30+s5] =	stream.linear.scatter [tilespmem:s2], [sflag:$0x5], $0x8000, $0x38;
	[tilespmem:$0x10400] =	vst v63  }
0x138: {  	s21 =	simm.s32 $0xAC00;
	s22 =	simm.s32 $0xEC00;
	s3 =	rddreg [dreg:$0x1]  }
0x139: {  	s23 =	simm.s32 $0xBC00;
	s26 =	simm.s32 $0xCC00;
	s6 =	rddreg [dreg:$0x2]  }
.LBB2_2:
0x13a: {  	_ =	swait.ge [sflag:s8], $0x80  }
0x13b: {  	[sflag:s8] =	ssyncset.done $0x0  }
0x13c: {  	[sflag:s8] =	ssyncadd.s32 $0xFFFFFF80  }
0x13d: {  	_ =	swait.ge [sflag:s8], $0x80  }
0x13e: {  	[sflag:s8] =	ssyncset.done $0x0  }
0x13f: {  	[sflag:s8] =	ssyncadd.s32 $0xFFFFFF80  }
0x140: {  	_ =	swait.ge [sflag:s8], $0x80  }
0x141: {  	[sflag:s8] =	ssyncset.done $0x0  }
0x142: {  	[sflag:s8] =	ssyncadd.s32 $0xFFFFFF80  }
0x143: {  	v3 =	vld [tilespmem:$0x0]  }
0x144: {  	v4 =	vld [tilespmem:$0x100]  }
0x145: {  	v5 =	vld [tilespmem:$0x200]  }
0x146: {  	v6 =	vld [tilespmem:$0x10]  }
0x147: {  	v7 =	vld [tilespmem:$0x110]  }
0x148: {  	v8 =	vld [tilespmem:$0x210]  }
0x149: {  	v9 =	vld [tilespmem:$0x20]  }
0x14a: {  	v10 =	vld [tilespmem:$0x120]  }
0x14b: {  	v11 =	vld [tilespmem:$0x220]  }
0x14c: {  	v12 =	vld [tilespmem:$0x30]  }
0x14d: {  	v13 =	vld [tilespmem:$0x130]  }
0x14e: {  	v14 =	vld [tilespmem:$0x230]  }
0x14f: {  	v15 =	vld [tilespmem:$0x40]  }
0x150: {  	v16 =	vld [tilespmem:$0x140]  }
0x151: {  	v17 =	vld [tilespmem:$0x240]  }
0x152: {  	v18 =	vld [tilespmem:$0x50]  }
0x153: {  	v19 =	vld [tilespmem:$0x150]  }
0x154: {  	v20 =	vld [tilespmem:$0x250]  }
0x155: {  	v21 =	vld [tilespmem:$0x60];
	v3 =	vshll.u32 v3, $0xC  }
0x156: {  	v30 =	vld [tilespmem:$0x160];
	v5 =	vshll.u32 v5, $0x6;
	v29 =	vshll.u32 v6, $0xC;
	v31 =	vshll.u32 v8, $0x6  }
0x157: {  	v32 =	vld [tilespmem:$0x260];
	v33 =	vshll.u32 v9, $0xC;
	v34 =	vshll.u32 v11, $0x6;
	v35 =	vshll.u32 v12, $0xC  }
0x158: {  	v36 =	vld [tilespmem:$0x70];
	v37 =	vshll.u32 v14, $0x6;
	v42 =	vshll.u32 v17, $0x6;
	v3 =	vadd.s32 v3, v4  }
0x159: {  	v38 =	vld [tilespmem:$0x170];
	v43 =	vshll.u32 v18, $0xC;
	v4 =	vadd.s32 v29, v7;
	v3 =	vadd.s32 v5, v3  }
0x15a: {  	s13 =	sadd.s32 s20, s25;
	v41 =	vld [tilespmem:$0x270];
	v44 =	vshll.u32 v20, $0x6;
	v8 =	vadd.s32 v33, v10;
	[tilespmem:$0x300] =	vst v3;
	v3 =	vadd.s32 v31, v4  }
0x15b: {  	s14 =	sadd.s32 $0x80, s13;
	v11 =	vadd.s32 v35, v13;
	v39 =	vadd.s32 v34, v8;
	[tilespmem:$0x310] =	vst v3;
	v3 =	vshll.u32 v15, $0xC  }
0x15c: {  	p0 =	slt.s32 s14, $0x61A;
	v45 =	vshll.u32 v21, $0xC;
	v40 =	vadd.s32 v37, v11;
	[tilespmem:$0x320] =	vst v39;
	v3 =	vadd.s32 v3, v16  }
0x15d: {  	s14 =	simm.s32 @!p0 $0x61A;
	v46 =	vshll.u32 v36, $0xC;
	v10 =	vadd.s32 v43, v19;
	[tilespmem:$0x330] =	vst v40;
	v3 =	vadd.s32 v42, v3  }
0x15e: {  	s14 =	sshll.u32 s14, $0x7;
	v5 =	vadd.s32 v45, v30;
	v4 =	vadd.s32 v44, v10;
	[tilespmem:$0x340] =	vst v3;
	v3 =	vshll.u32 v32, $0x6  }
0x15f: {  	s14 =	smin.u32 s14, $0x30CC0;
	v47 =	vshll.u32 v41, $0x6;
	v48 =	vadd.s32 v46, v38;
	[tilespmem:$0x350] =	vst v4;
	v3 =	vadd.s32 v3, v5  }
0x160: {  	s14 =	sshrl.u32 s14, $0x3;
	[tilespmem:$0x360] =	vst v3;
	v3 =	vadd.s32 v47, v48  }
0x161: {  	s15 =	sadd.s32 s3, s14;
	[tilespmem:$0x370] =	vst v3  }
0x162: {  	[tilespmem:s5], [sflag:$0x1] =	stream.linear.gather [hbm4b:s15+s5], $0x80, $0x38;
	[tilespmem:$0x10400] =	vst v63  }
0x163: {  	s30 =	simm.s32 $0x100;
	s24 =	sadd.s32 s7, s14  }
0x164: {  	[tilespmem:s30], [sflag:$0x1] =	stream.linear.gather [hbm4b:s24+s5], $0x80, $0x38;
	[tilespmem:$0x10400] =	vst v63  }
0x165: {  	s14 =	sadd.s32 s6, s14;
	s30 =	simm.s32 $0x200  }
0x166: {  	[tilespmem:s30], [sflag:$0x1] =	stream.linear.gather [hbm4b:s14+s5], $0x80, $0x38;
	[tilespmem:$0x10400] =	vst v63  }
0x167: {  	_ =	swait.ge [sflag:s31], $0x8000  }
0x168: {  	[sflag:s31] =	ssyncset.done $0x0  }
0x169: {  	[sflag:s31] =	ssyncadd.s32 $0xFFFF8000  }
0x16a: {  	v3 =	vld [tilespmem:$0x300];
	_ =	sdelay $0x4  }
0x16b: {  	v49 =	vshll.u32 v3, $0x1  }
0x16c: {  	v3 =	vand.u32 $0x7, v3;
	v4 =	vand.u32 $0xFFFFFFF0, v49  }
0x16d: {  	v3 =	vor.u32 v3, v4  }
0x16e: {  	v4 =	vperm.xlane v3, v0;
	_ =	sdelay $0x1  }
0x16f: {  	v3 =	vperm.xlane v3, v2;
	v4 =	vadd.s32 v1, v4;
	_ =	sdelay $0x1  }
0x170: {  	v3 =	vadd.s32 v1, v3;
	_ =	sdelay $0x1  }
0x171: {  	s24 =	simm.s32 $0x400  }
0x172: {  	[tilespmem:s24], [sflag:$0x3] =	stream.indirect_vreg.gather [hbm4b:s1+s5], $0x80, v4, vm0, $0xb8;
	[tilespmem:$0x10400] =	vst v63  }
0x173: {  	s2 =	simm.s32 $0xC00  }
0x174: {  	[tilespmem:s2], [sflag:$0x3] =	stream.indirect_vreg.gather [hbm4b:s1+s5], $0x80, v3, vm0, $0xb8;
	[tilespmem:$0x10400] =	vst v63  }
0x175: {  	v3 =	vld [tilespmem:$0x310];
	_ =	sdelay $0x4  }
0x176: {  	v50 =	vshll.u32 v3, $0x1  }
0x177: {  	v3 =	vand.u32 $0x7, v3;
	v4 =	vand.u32 $0xFFFFFFF0, v50  }
0x178: {  	v3 =	vor.u32 v3, v4  }
0x179: {  	v4 =	vperm.xlane v3, v0;
	_ =	sdelay $0x1  }
0x17a: {  	v3 =	vperm.xlane v3, v2;
	v4 =	vadd.s32 v1, v4;
	_ =	sdelay $0x1  }
0x17b: {  	v3 =	vadd.s32 v1, v3;
	_ =	sdelay $0x1  }
0x17c: {  	s9 =	simm.s32 $0x1400  }
0x17d: {  	[tilespmem:s9], [sflag:$0x3] =	stream.indirect_vreg.gather [hbm4b:s1+s5], $0x80, v4, vm0, $0xb8;
	[tilespmem:$0x10400] =	vst v63  }
0x17e: {  	s2 =	simm.s32 $0x1C00  }
0x17f: {  	[tilespmem:s2], [sflag:$0x3] =	stream.indirect_vreg.gather [hbm4b:s1+s5], $0x80, v3, vm0, $0xb8;
	[tilespmem:$0x10400] =	vst v63  }
0x180: {  	v3 =	vld [tilespmem:$0x320];
	_ =	sdelay $0x4  }
0x181: {  	v51 =	vshll.u32 v3, $0x1  }
0x182: {  	v3 =	vand.u32 $0x7, v3;
	v4 =	vand.u32 $0xFFFFFFF0, v51  }
0x183: {  	v3 =	vor.u32 v3, v4  }
0x184: {  	v4 =	vperm.xlane v3, v0;
	_ =	sdelay $0x1  }
0x185: {  	v3 =	vperm.xlane v3, v2;
	v4 =	vadd.s32 v1, v4;
	_ =	sdelay $0x1  }
0x186: {  	v3 =	vadd.s32 v1, v3;
	_ =	sdelay $0x1  }
0x187: {  	s9 =	simm.s32 $0x2400  }
0x188: {  	[tilespmem:s9], [sflag:$0x3] =	stream.indirect_vreg.gather [hbm4b:s1+s5], $0x80, v4, vm0, $0xb8;
	[tilespmem:$0x10400] =	vst v63  }
0x189: {  	s2 =	simm.s32 $0x2C00  }
0x18a: {  	[tilespmem:s2], [sflag:$0x3] =	stream.indirect_vreg.gather [hbm4b:s1+s5], $0x80, v3, vm0, $0xb8;
	[tilespmem:$0x10400] =	vst v63  }
0x18b: {  	v3 =	vld [tilespmem:$0x330];
	_ =	sdelay $0x4  }
0x18c: {  	v52 =	vshll.u32 v3, $0x1  }
0x18d: {  	v3 =	vand.u32 $0x7, v3;
	v4 =	vand.u32 $0xFFFFFFF0, v52  }
0x18e: {  	v3 =	vor.u32 v3, v4  }
0x18f: {  	v4 =	vperm.xlane v3, v0;
	_ =	sdelay $0x1  }
0x190: {  	v3 =	vperm.xlane v3, v2;
	v4 =	vadd.s32 v1, v4;
	_ =	sdelay $0x1  }
0x191: {  	v3 =	vadd.s32 v1, v3;
	_ =	sdelay $0x1  }
0x192: {  	s9 =	simm.s32 $0x3400  }
0x193: {  	[tilespmem:s9], [sflag:$0x3] =	stream.indirect_vreg.gather [hbm4b:s1+s5], $0x80, v4, vm0, $0xb8;
	[tilespmem:$0x10400] =	vst v63  }
0x194: {  	s2 =	simm.s32 $0x3C00  }
0x195: {  	[tilespmem:s2], [sflag:$0x3] =	stream.indirect_vreg.gather [hbm4b:s1+s5], $0x80, v3, vm0, $0xb8;
	[tilespmem:$0x10400] =	vst v63  }
0x196: {  	v3 =	vld [tilespmem:$0x340];
	_ =	sdelay $0x4  }
0x197: {  	v53 =	vshll.u32 v3, $0x1  }
0x198: {  	v3 =	vand.u32 $0x7, v3;
	v4 =	vand.u32 $0xFFFFFFF0, v53  }
0x199: {  	v3 =	vor.u32 v3, v4  }
0x19a: {  	v4 =	vperm.xlane v3, v0;
	_ =	sdelay $0x1  }
0x19b: {  	v3 =	vperm.xlane v3, v2;
	v4 =	vadd.s32 v1, v4;
	_ =	sdelay $0x1  }
0x19c: {  	v3 =	vadd.s32 v1, v3;
	_ =	sdelay $0x1  }
0x19d: {  	s9 =	simm.s32 $0x4400  }
0x19e: {  	[tilespmem:s9], [sflag:$0x3] =	stream.indirect_vreg.gather [hbm4b:s1+s5], $0x80, v4, vm0, $0xb8;
	[tilespmem:$0x10400] =	vst v63  }
0x19f: {  	s2 =	simm.s32 $0x4C00  }
0x1a0: {  	[tilespmem:s2], [sflag:$0x3] =	stream.indirect_vreg.gather [hbm4b:s1+s5], $0x80, v3, vm0, $0xb8;
	[tilespmem:$0x10400] =	vst v63  }
0x1a1: {  	v3 =	vld [tilespmem:$0x350];
	_ =	sdelay $0x4  }
0x1a2: {  	v54 =	vshll.u32 v3, $0x1  }
0x1a3: {  	v3 =	vand.u32 $0x7, v3;
	v4 =	vand.u32 $0xFFFFFFF0, v54  }
0x1a4: {  	v3 =	vor.u32 v3, v4  }
0x1a5: {  	v4 =	vperm.xlane v3, v0;
	_ =	sdelay $0x1  }
0x1a6: {  	v3 =	vperm.xlane v3, v2;
	v4 =	vadd.s32 v1, v4;
	_ =	sdelay $0x1  }
0x1a7: {  	v3 =	vadd.s32 v1, v3;
	_ =	sdelay $0x1  }
0x1a8: {  	s9 =	simm.s32 $0x5400  }
0x1a9: {  	[tilespmem:s9], [sflag:$0x3] =	stream.indirect_vreg.gather [hbm4b:s1+s5], $0x80, v4, vm0, $0xb8;
	[tilespmem:$0x10400] =	vst v63  }
0x1aa: {  	s2 =	simm.s32 $0x5C00  }
0x1ab: {  	[tilespmem:s2], [sflag:$0x3] =	stream.indirect_vreg.gather [hbm4b:s1+s5], $0x80, v3, vm0, $0xb8;
	[tilespmem:$0x10400] =	vst v63  }
0x1ac: {  	v3 =	vld [tilespmem:$0x360];
	_ =	sdelay $0x4  }
0x1ad: {  	v55 =	vshll.u32 v3, $0x1  }
0x1ae: {  	v3 =	vand.u32 $0x7, v3;
	v4 =	vand.u32 $0xFFFFFFF0, v55  }
0x1af: {  	v3 =	vor.u32 v3, v4  }
0x1b0: {  	v4 =	vperm.xlane v3, v0;
	_ =	sdelay $0x1  }
0x1b1: {  	v3 =	vperm.xlane v3, v2;
	v4 =	vadd.s32 v1, v4;
	_ =	sdelay $0x1  }
0x1b2: {  	v3 =	vadd.s32 v1, v3;
	_ =	sdelay $0x1  }
0x1b3: {  	s9 =	simm.s32 $0x6400  }
0x1b4: {  	[tilespmem:s9], [sflag:$0x3] =	stream.indirect_vreg.gather [hbm4b:s1+s5], $0x80, v4, vm0, $0xb8;
	[tilespmem:$0x10400] =	vst v63  }
0x1b5: {  	s2 =	simm.s32 $0x6C00  }
0x1b6: {  	[tilespmem:s2], [sflag:$0x3] =	stream.indirect_vreg.gather [hbm4b:s1+s5], $0x80, v3, vm0, $0xb8;
	[tilespmem:$0x10400] =	vst v63  }
0x1b7: {  	v3 =	vld [tilespmem:$0x370];
	_ =	sdelay $0x4  }
0x1b8: {  	v56 =	vshll.u32 v3, $0x1  }
0x1b9: {  	v3 =	vand.u32 $0x7, v3;
	v4 =	vand.u32 $0xFFFFFFF0, v56  }
0x1ba: {  	v3 =	vor.u32 v3, v4  }
0x1bb: {  	v4 =	vperm.xlane v3, v0;
	_ =	sdelay $0x1  }
0x1bc: {  	v3 =	vperm.xlane v3, v2;
	v4 =	vadd.s32 v1, v4;
	_ =	sdelay $0x1  }
0x1bd: {  	v3 =	vadd.s32 v1, v3;
	_ =	sdelay $0x1  }
0x1be: {  	s9 =	simm.s32 $0x7400  }
0x1bf: {  	[tilespmem:s9], [sflag:$0x3] =	stream.indirect_vreg.gather [hbm4b:s1+s5], $0x80, v4, vm0, $0xb8;
	[tilespmem:$0x10400] =	vst v63  }
0x1c0: {  	s2 =	simm.s32 $0x7C00  }
0x1c1: {  	[tilespmem:s2], [sflag:$0x3] =	stream.indirect_vreg.gather [hbm4b:s1+s5], $0x80, v3, vm0, $0xb8;
	[tilespmem:$0x10400] =	vst v63  }
0x1c2: {  	_ =	swait.ge [sflag:s11], $0x8000  }
0x1c3: {  	[sflag:s11] =	ssyncset.done $0x0  }
0x1c4: {  	s2 =	simm.s32 $0x8400;
	[sflag:s11] =	ssyncadd.s32 $0xFFFF8000  }
0x1c5: {  	[hbm4b:s12+s5] =	stream.linear.scatter [tilespmem:s2], [sflag:$0x6], $0x8000, $0x38;
	[tilespmem:$0x10400] =	vst v63  }
0x1c6: {  	_ =	swait.ge [sflag:s28], $0x80  }
0x1c7: {  	[sflag:s28] =	ssyncset.done $0x0  }
0x1c8: {  	[sflag:s28] =	ssyncadd.s32 $0xFFFFFF80  }
0x1c9: {  	_ =	swait.ge [sflag:s28], $0x80  }
0x1ca: {  	[sflag:s28] =	ssyncset.done $0x0  }
0x1cb: {  	[sflag:s28] =	ssyncadd.s32 $0xFFFFFF80  }
0x1cc: {  	_ =	swait.ge [sflag:s28], $0x80  }
0x1cd: {  	[sflag:s28] =	ssyncset.done $0x0  }
0x1ce: {  	[sflag:s28] =	ssyncadd.s32 $0xFFFFFF80  }
0x1cf: {  	v3 =	vld [tilespmem:$0x80]  }
0x1d0: {  	v57 =	vld [tilespmem:$0x180]  }
0x1d1: {  	v58 =	vld [tilespmem:$0x280]  }
0x1d2: {  	v59 =	vld [tilespmem:$0x90]  }
0x1d3: {  	v60 =	vld [tilespmem:$0x190]  }
0x1d4: {  	v61 =	vld [tilespmem:$0x290]  }
0x1d5: {  	v62 =	vld [tilespmem:$0xA0]  }
0x1d6: {  	v63 =	vld [tilespmem:$0x1A0]  }
0x1d7: {  	v24 =	vld [tilespmem:$0x2A0]  }
0x1d8: {  	v25 =	vld [tilespmem:$0xB0]  }
0x1d9: {  	v26 =	vld [tilespmem:$0x1B0]  }
0x1da: {  	v27 =	vld [tilespmem:$0x2B0]  }
0x1db: {  	v28 =	vld [tilespmem:$0xC0]  }
0x1dc: {  	v29 =	vld [tilespmem:$0x1C0]  }
0x1dd: {  	v30 =	vld [tilespmem:$0x2C0]  }
0x1de: {  	v31 =	vld [tilespmem:$0xD0]  }
0x1df: {  	v32 =	vld [tilespmem:$0x1D0]  }
0x1e0: {  	v33 =	vld [tilespmem:$0x2D0]  }
0x1e1: {  	v34 =	vld [tilespmem:$0xE0];
	v3 =	vshll.u32 v3, $0xC  }
0x1e2: {  	v36 =	vld [tilespmem:$0x1E0];
	v5 =	vshll.u32 v58, $0x6;
	v35 =	vshll.u32 v59, $0xC;
	v37 =	vshll.u32 v62, $0xC  }
0x1e3: {  	v38 =	vld [tilespmem:$0x2E0];
	v8 =	vshll.u32 v61, $0x6;
	v39 =	vshll.u32 v24, $0x6;
	v41 =	vshll.u32 v25, $0xC  }
0x1e4: {  	v40 =	vld [tilespmem:$0xF0];
	v43 =	vshll.u32 v28, $0xC;
	v46 =	vshll.u32 v31, $0xC;
	v3 =	vadd.s32 v3, v57  }
0x1e5: {  	v42 =	vld [tilespmem:$0x1F0];
	v48 =	vshll.u32 v30, $0x6;
	v4 =	vadd.s32 v35, v60;
	v3 =	vadd.s32 v5, v3  }
0x1e6: {  	v44 =	vld [tilespmem:$0x2F0];
	v49 =	vshll.u32 v33, $0x6;
	v47 =	vadd.s32 v46, v32;
	v4 =	vadd.s32 v8, v4;
	[tilespmem:$0x380] =	vst v3  }
0x1e7: {  	s13 =	sadd.s32 $0xA0, s13;
	v8 =	vadd.s32 v41, v26;
	v50 =	vadd.s32 v49, v47;
	v3 =	vshll.u32 v27, $0x6;
	[tilespmem:$0x390] =	vst v4  }
0x1e8: {  	p0 =	slt.s32 s13, $0x61A;
	v51 =	vshll.u32 v34, $0xC;
	v45 =	vadd.s32 v43, v29;
	[tilespmem:$0x3D0] =	vst v50;
	v3 =	vadd.s32 v3, v8  }
0x1e9: {  	s13 =	simm.s32 @!p0 $0x61A;
	v52 =	vshll.u32 v38, $0x6;
	v5 =	vadd.s32 v37, v63;
	[tilespmem:$0x3B0] =	vst v3;
	v3 =	vadd.s32 v48, v45  }
0x1ea: {  	s13 =	sshll.u32 s13, $0x7;
	v53 =	vshll.u32 v40, $0xC;
	v5 =	vadd.s32 v39, v5;
	[tilespmem:$0x3C0] =	vst v3;
	v3 =	vadd.s32 v51, v36  }
0x1eb: {  	s13 =	smin.u32 s13, $0x30CC0;
	v55 =	vshll.u32 v44, $0x6;
	v54 =	vadd.s32 v53, v42;
	[tilespmem:$0x3A0] =	vst v5;
	v3 =	vadd.s32 v52, v3  }
0x1ec: {  	s13 =	sshrl.u32 s13, $0x3;
	[tilespmem:$0x3E0] =	vst v3;
	v3 =	vadd.s32 v55, v54  }
0x1ed: {  	s15 =	simm.s32 $0x80;
	s9 =	sadd.s32 s3, s13;
	[tilespmem:$0x3F0] =	vst v3  }
0x1ee: {  	[tilespmem:s15], [sflag:$0x2] =	stream.linear.gather [hbm4b:s9+s5], $0x80, $0x38;
	[tilespmem:$0x10400] =	vst v63  }
0x1ef: {  	s0 =	simm.s32 $0x180;
	s9 =	sadd.s32 s7, s13  }
0x1f0: {  	[tilespmem:s0], [sflag:$0x2] =	stream.linear.gather [hbm4b:s9+s5], $0x80, $0x38;
	[tilespmem:$0x10400] =	vst v63  }
0x1f1: {  	s13 =	sadd.s32 s6, s13;
	s0 =	simm.s32 $0x280  }
0x1f2: {  	[tilespmem:s0], [sflag:$0x2] =	stream.linear.gather [hbm4b:s13+s5], $0x80, $0x38;
	[tilespmem:$0x10400] =	vst v63  }
0x1f3: {  	_ =	swait.ge [sflag:s4], $0x8000  }
0x1f4: {  	[sflag:s4] =	ssyncset.done $0x0  }
0x1f5: {  	[sflag:s4] =	ssyncadd.s32 $0xFFFF8000  }
0x1f6: {  	v3 =	vld [tilespmem:$0x380];
	_ =	sdelay $0x4  }
0x1f7: {  	v56 =	vshll.u32 v3, $0x1  }
0x1f8: {  	v3 =	vand.u32 $0x7, v3;
	v4 =	vand.u32 $0xFFFFFFF0, v56  }
0x1f9: {  	v3 =	vor.u32 v3, v4  }
0x1fa: {  	v4 =	vperm.xlane v3, v0;
	_ =	sdelay $0x1  }
0x1fb: {  	v3 =	vperm.xlane v3, v2;
	v4 =	vadd.s32 v1, v4;
	_ =	sdelay $0x1  }
0x1fc: {  	v3 =	vadd.s32 v1, v3;
	_ =	sdelay $0x2  }
0x1fd: {  	[tilespmem:s2], [sflag:$0x4] =	stream.indirect_vreg.gather [hbm4b:s1+s5], $0x80, v4, vm0, $0xb8;
	[tilespmem:$0x10400] =	vst v63  }
0x1fe: {  	_ = 	snop  }
0x1ff: {  	[tilespmem:s16], [sflag:$0x4] =	stream.indirect_vreg.gather [hbm4b:s1+s5], $0x80, v3, vm0, $0xb8;
	[tilespmem:$0x10400] =	vst v63  }
0x200: {  	v3 =	vld [tilespmem:$0x390];
	_ =	sdelay $0x4  }
0x201: {  	v57 =	vshll.u32 v3, $0x1  }
0x202: {  	v3 =	vand.u32 $0x7, v3;
	v4 =	vand.u32 $0xFFFFFFF0, v57  }
0x203: {  	v3 =	vor.u32 v3, v4  }
0x204: {  	v4 =	vperm.xlane v3, v0;
	_ =	sdelay $0x1  }
0x205: {  	v3 =	vperm.xlane v3, v2;
	v4 =	vadd.s32 v1, v4;
	_ =	sdelay $0x1  }
0x206: {  	v3 =	vadd.s32 v1, v3;
	_ =	sdelay $0x1  }
0x207: {  	s13 =	simm.s32 $0x9400  }
0x208: {  	[tilespmem:s13], [sflag:$0x4] =	stream.indirect_vreg.gather [hbm4b:s1+s5], $0x80, v4, vm0, $0xb8;
	[tilespmem:$0x10400] =	vst v63  }
0x209: {  	_ = 	snop  }
0x20a: {  	[tilespmem:s18], [sflag:$0x4] =	stream.indirect_vreg.gather [hbm4b:s1+s5], $0x80, v3, vm0, $0xb8;
	[tilespmem:$0x10400] =	vst v63  }
0x20b: {  	v3 =	vld [tilespmem:$0x3A0];
	_ =	sdelay $0x4  }
0x20c: {  	v58 =	vshll.u32 v3, $0x1  }
0x20d: {  	v3 =	vand.u32 $0x7, v3;
	v4 =	vand.u32 $0xFFFFFFF0, v58  }
0x20e: {  	v3 =	vor.u32 v3, v4  }
0x20f: {  	v4 =	vperm.xlane v3, v0;
	_ =	sdelay $0x1  }
0x210: {  	v3 =	vperm.xlane v3, v2;
	v4 =	vadd.s32 v1, v4;
	_ =	sdelay $0x1  }
0x211: {  	v3 =	vadd.s32 v1, v3;
	_ =	sdelay $0x2  }
0x212: {  	[tilespmem:s19], [sflag:$0x4] =	stream.indirect_vreg.gather [hbm4b:s1+s5], $0x80, v4, vm0, $0xb8;
	[tilespmem:$0x10400] =	vst v63  }
0x213: {  	_ = 	snop  }
0x214: {  	[tilespmem:s21], [sflag:$0x4] =	stream.indirect_vreg.gather [hbm4b:s1+s5], $0x80, v3, vm0, $0xb8;
	[tilespmem:$0x10400] =	vst v63  }
0x215: {  	v3 =	vld [tilespmem:$0x3B0];
	_ =	sdelay $0x4  }
0x216: {  	v59 =	vshll.u32 v3, $0x1  }
0x217: {  	v3 =	vand.u32 $0x7, v3;
	v4 =	vand.u32 $0xFFFFFFF0, v59  }
0x218: {  	v3 =	vor.u32 v3, v4  }
0x219: {  	v4 =	vperm.xlane v3, v0;
	_ =	sdelay $0x1  }
0x21a: {  	v3 =	vperm.xlane v3, v2;
	v4 =	vadd.s32 v1, v4;
	_ =	sdelay $0x1  }
0x21b: {  	v3 =	vadd.s32 v1, v3;
	_ =	sdelay $0x1  }
0x21c: {  	s13 =	simm.s32 $0xB400  }
0x21d: {  	[tilespmem:s13], [sflag:$0x4] =	stream.indirect_vreg.gather [hbm4b:s1+s5], $0x80, v4, vm0, $0xb8;
	[tilespmem:$0x10400] =	vst v63  }
0x21e: {  	_ = 	snop  }
0x21f: {  	[tilespmem:s23], [sflag:$0x4] =	stream.indirect_vreg.gather [hbm4b:s1+s5], $0x80, v3, vm0, $0xb8;
	[tilespmem:$0x10400] =	vst v63  }
0x220: {  	v3 =	vld [tilespmem:$0x3C0];
	_ =	sdelay $0x4  }
0x221: {  	v60 =	vshll.u32 v3, $0x1  }
0x222: {  	v3 =	vand.u32 $0x7, v3;
	v4 =	vand.u32 $0xFFFFFFF0, v60  }
0x223: {  	v3 =	vor.u32 v3, v4  }
0x224: {  	v4 =	vperm.xlane v3, v0;
	_ =	sdelay $0x1  }
0x225: {  	v3 =	vperm.xlane v3, v2;
	v4 =	vadd.s32 v1, v4;
	_ =	sdelay $0x1  }
0x226: {  	v3 =	vadd.s32 v1, v3;
	_ =	sdelay $0x1  }
0x227: {  	s13 =	simm.s32 $0xC400  }
0x228: {  	[tilespmem:s13], [sflag:$0x4] =	stream.indirect_vreg.gather [hbm4b:s1+s5], $0x80, v4, vm0, $0xb8;
	[tilespmem:$0x10400] =	vst v63  }
0x229: {  	_ = 	snop  }
0x22a: {  	[tilespmem:s26], [sflag:$0x4] =	stream.indirect_vreg.gather [hbm4b:s1+s5], $0x80, v3, vm0, $0xb8;
	[tilespmem:$0x10400] =	vst v63  }
0x22b: {  	v3 =	vld [tilespmem:$0x3D0];
	_ =	sdelay $0x4  }
0x22c: {  	v61 =	vshll.u32 v3, $0x1  }
0x22d: {  	v3 =	vand.u32 $0x7, v3;
	v4 =	vand.u32 $0xFFFFFFF0, v61  }
0x22e: {  	v3 =	vor.u32 v3, v4  }
0x22f: {  	v4 =	vperm.xlane v3, v0;
	_ =	sdelay $0x1  }
0x230: {  	v3 =	vperm.xlane v3, v2;
	v4 =	vadd.s32 v1, v4;
	_ =	sdelay $0x1  }
0x231: {  	v3 =	vadd.s32 v1, v3;
	_ =	sdelay $0x1  }
0x232: {  	s13 =	simm.s32 $0xD400  }
0x233: {  	[tilespmem:s13], [sflag:$0x4] =	stream.indirect_vreg.gather [hbm4b:s1+s5], $0x80, v4, vm0, $0xb8;
	[tilespmem:$0x10400] =	vst v63  }
0x234: {  	s30 =	simm.s32 $0xDC00  }
0x235: {  	[tilespmem:s30], [sflag:$0x4] =	stream.indirect_vreg.gather [hbm4b:s1+s5], $0x80, v3, vm0, $0xb8;
	[tilespmem:$0x10400] =	vst v63  }
0x236: {  	v3 =	vld [tilespmem:$0x3E0];
	_ =	sdelay $0x4  }
0x237: {  	v62 =	vshll.u32 v3, $0x1  }
0x238: {  	v3 =	vand.u32 $0x7, v3;
	v4 =	vand.u32 $0xFFFFFFF0, v62  }
0x239: {  	v3 =	vor.u32 v3, v4  }
0x23a: {  	v4 =	vperm.xlane v3, v0;
	_ =	sdelay $0x1  }
0x23b: {  	v3 =	vperm.xlane v3, v2;
	v4 =	vadd.s32 v1, v4;
	_ =	sdelay $0x1  }
0x23c: {  	v3 =	vadd.s32 v1, v3;
	_ =	sdelay $0x1  }
0x23d: {  	s13 =	simm.s32 $0xE400  }
0x23e: {  	[tilespmem:s13], [sflag:$0x4] =	stream.indirect_vreg.gather [hbm4b:s1+s5], $0x80, v4, vm0, $0xb8;
	[tilespmem:$0x10400] =	vst v63  }
0x23f: {  	_ = 	snop  }
0x240: {  	[tilespmem:s22], [sflag:$0x4] =	stream.indirect_vreg.gather [hbm4b:s1+s5], $0x80, v3, vm0, $0xb8;
	[tilespmem:$0x10400] =	vst v63  }
0x241: {  	v3 =	vld [tilespmem:$0x3F0];
	_ =	sdelay $0x4  }
0x242: {  	v63 =	vshll.u32 v3, $0x1  }
0x243: {  	v3 =	vand.u32 $0x7, v3;
	v4 =	vand.u32 $0xFFFFFFF0, v63  }
0x244: {  	v3 =	vor.u32 v3, v4  }
0x245: {  	v4 =	vperm.xlane v3, v0;
	_ =	sdelay $0x1  }
0x246: {  	v3 =	vperm.xlane v3, v2;
	v4 =	vadd.s32 v1, v4;
	_ =	sdelay $0x1  }
0x247: {  	v3 =	vadd.s32 v1, v3;
	_ =	sdelay $0x2  }
0x248: {  	[tilespmem:s29], [sflag:$0x4] =	stream.indirect_vreg.gather [hbm4b:s1+s5], $0x80, v4, vm0, $0xb8;
	[tilespmem:$0x10400] =	vst v63  }
0x249: {  	p0 =	sne.s32 s20, $0x580  }
0x24a: {  	[tilespmem:s17], [sflag:$0x4] =	stream.indirect_vreg.gather [hbm4b:s1+s5], $0x80, v3, vm0, $0xb8;
	[tilespmem:$0x10400] =	vst v63  }
.Ltmp0:
0x24b: {  	_ = 	snop;
	(pc) =	sbr.rel @p0 .LBB2_2-.Ltmp0, $4  }
0x24c: {  	s20 =	sadd.s32 $0x40, s20;
	_ =	swait.ge [sflag:s10], $0x8000  }
0x24d: {  	s14 =	simm.s32 $0x180;
	s9 =	simm.s32 $0x8400;
	[sflag:s10] =	ssyncset.done $0x0  }
0x24e: {  	s2 =	sadd.s32 $0x20000, s12;
	s12 =	sadd.s32 $0x40000, s12;
	[sflag:s10] =	ssyncadd.s32 $0xFFFF8000  }
0x24f: {  	[hbm4b:s2+s5] =	stream.linear.scatter [tilespmem:s24], [sflag:$0x5], $0x8000, $0x38;
	[tilespmem:$0x10400] =	vst v63  }
0x250: {  	_ =	swait.ge [sflag:s8], $0x80  }
0x251: {  	[sflag:s8] =	ssyncset.done $0x0  }
0x252: {  	[sflag:s8] =	ssyncadd.s32 $0xFFFFFF80  }
0x253: {  	_ =	swait.ge [sflag:s8], $0x80  }
0x254: {  	[sflag:s8] =	ssyncset.done $0x0  }
0x255: {  	[sflag:s8] =	ssyncadd.s32 $0xFFFFFF80  }
0x256: {  	_ =	swait.ge [sflag:s8], $0x80  }
0x257: {  	[sflag:s8] =	ssyncset.done $0x0  }
0x258: {  	[sflag:s8] =	ssyncadd.s32 $0xFFFFFF80  }
0x259: {  	v3 =	vld [tilespmem:$0x0]  }
0x25a: {  	v4 =	vld [tilespmem:$0x100]  }
0x25b: {  	v5 =	vld [tilespmem:$0x200]  }
0x25c: {  	v6 =	vld [tilespmem:$0x10]  }
0x25d: {  	v7 =	vld [tilespmem:$0x110]  }
0x25e: {  	v8 =	vld [tilespmem:$0x210]  }
0x25f: {  	v9 =	vld [tilespmem:$0x20]  }
0x260: {  	v10 =	vld [tilespmem:$0x120]  }
0x261: {  	v11 =	vld [tilespmem:$0x220]  }
0x262: {  	v12 =	vld [tilespmem:$0x30]  }
0x263: {  	v13 =	vld [tilespmem:$0x130]  }
0x264: {  	v14 =	vld [tilespmem:$0x230]  }
0x265: {  	v15 =	vld [tilespmem:$0x40]  }
0x266: {  	v16 =	vld [tilespmem:$0x140]  }
0x267: {  	v17 =	vld [tilespmem:$0x240]  }
0x268: {  	v18 =	vld [tilespmem:$0x50]  }
0x269: {  	v19 =	vld [tilespmem:$0x150]  }
0x26a: {  	v20 =	vld [tilespmem:$0x250]  }
0x26b: {  	v21 =	vld [tilespmem:$0x60];
	v3 =	vshll.u32 v3, $0xC  }
0x26c: {  	v36 =	vld [tilespmem:$0x160];
	v5 =	vshll.u32 v5, $0x6;
	v35 =	vshll.u32 v6, $0xC;
	v37 =	vshll.u32 v9, $0xC  }
0x26d: {  	v38 =	vld [tilespmem:$0x260];
	v8 =	vshll.u32 v8, $0x6;
	v39 =	vshll.u32 v11, $0x6;
	v41 =	vshll.u32 v12, $0xC  }
0x26e: {  	v40 =	vld [tilespmem:$0x70];
	v43 =	vshll.u32 v15, $0xC;
	v46 =	vshll.u32 v18, $0xC;
	v3 =	vadd.s32 v3, v4  }
0x26f: {  	v42 =	vld [tilespmem:$0x170];
	v48 =	vshll.u32 v17, $0x6;
	v4 =	vadd.s32 v35, v7;
	v3 =	vadd.s32 v5, v3  }
0x270: {  	v44 =	vld [tilespmem:$0x270];
	v49 =	vshll.u32 v20, $0x6;
	v47 =	vadd.s32 v46, v19;
	v4 =	vadd.s32 v8, v4;
	[tilespmem:$0x300] =	vst v3  }
0x271: {  	v8 =	vadd.s32 v41, v13;
	v50 =	vadd.s32 v49, v47;
	v3 =	vshll.u32 v14, $0x6;
	[tilespmem:$0x310] =	vst v4  }
0x272: {  	v51 =	vshll.u32 v21, $0xC;
	v45 =	vadd.s32 v43, v16;
	[tilespmem:$0x350] =	vst v50;
	v3 =	vadd.s32 v3, v8  }
0x273: {  	v52 =	vshll.u32 v38, $0x6;
	v5 =	vadd.s32 v37, v10;
	[tilespmem:$0x330] =	vst v3;
	v3 =	vadd.s32 v48, v45  }
0x274: {  	v53 =	vshll.u32 v40, $0xC;
	v5 =	vadd.s32 v39, v5;
	[tilespmem:$0x340] =	vst v3;
	v3 =	vadd.s32 v51, v36  }
0x275: {  	v55 =	vshll.u32 v44, $0x6;
	v54 =	vadd.s32 v53, v42;
	[tilespmem:$0x320] =	vst v5;
	v3 =	vadd.s32 v52, v3  }
0x276: {  	[tilespmem:$0x360] =	vst v3;
	v3 =	vadd.s32 v55, v54  }
0x277: {  	s12 =	rddreg [dreg:$0x13];
	[tilespmem:$0x370] =	vst v3  }
0x278: {  	[tilespmem:s5], [sflag:$0x1] =	stream.linear.gather [hbm4b:s12+s5], $0x80, $0x38;
	[tilespmem:$0x10400] =	vst v63  }
0x279: {  	s13 =	simm.s32 $0x100;
	s21 =	rddreg [dreg:$0x14]  }
0x27a: {  	[tilespmem:s13], [sflag:$0x1] =	stream.linear.gather [hbm4b:s21+s5], $0x80, $0x38;
	[tilespmem:$0x10400] =	vst v63  }
0x27b: {  	s23 =	simm.s32 $0x200;
	s22 =	rddreg [dreg:$0x17]  }
0x27c: {  	[tilespmem:s23], [sflag:$0x1] =	stream.linear.gather [hbm4b:s22+s5], $0x80, $0x38;
	[tilespmem:$0x10400] =	vst v63  }
0x27d: {  	_ =	swait.ge [sflag:s31], $0x8000  }
0x27e: {  	[sflag:s31] =	ssyncset.done $0x0  }
0x27f: {  	[sflag:s31] =	ssyncadd.s32 $0xFFFF8000  }
0x280: {  	v3 =	vld [tilespmem:$0x300];
	_ =	sdelay $0x4  }
0x281: {  	v56 =	vshll.u32 v3, $0x1  }
0x282: {  	v3 =	vand.u32 $0x7, v3;
	v4 =	vand.u32 $0xFFFFFFF0, v56  }
0x283: {  	v3 =	vor.u32 v3, v4  }
0x284: {  	v4 =	vperm.xlane v3, v0;
	_ =	sdelay $0x1  }
0x285: {  	v3 =	vperm.xlane v3, v2;
	v4 =	vadd.s32 v1, v4;
	_ =	sdelay $0x1  }
0x286: {  	v3 =	vadd.s32 v1, v3;
	_ =	sdelay $0x1  }
0x287: {  	s2 =	simm.s32 $0x400  }
0x288: {  	[tilespmem:s2], [sflag:$0x3] =	stream.indirect_vreg.gather [hbm4b:s1+s5], $0x80, v4, vm0, $0xb8;
	[tilespmem:$0x10400] =	vst v63  }
0x289: {  	s24 =	simm.s32 $0xC00  }
0x28a: {  	[tilespmem:s24], [sflag:$0x3] =	stream.indirect_vreg.gather [hbm4b:s1+s5], $0x80, v3, vm0, $0xb8;
	[tilespmem:$0x10400] =	vst v63  }
0x28b: {  	v3 =	vld [tilespmem:$0x310];
	_ =	sdelay $0x4  }
0x28c: {  	v57 =	vshll.u32 v3, $0x1  }
0x28d: {  	v3 =	vand.u32 $0x7, v3;
	v4 =	vand.u32 $0xFFFFFFF0, v57  }
0x28e: {  	v3 =	vor.u32 v3, v4  }
0x28f: {  	v4 =	vperm.xlane v3, v0;
	_ =	sdelay $0x1  }
0x290: {  	v3 =	vperm.xlane v3, v2;
	v4 =	vadd.s32 v1, v4;
	_ =	sdelay $0x1  }
0x291: {  	v3 =	vadd.s32 v1, v3;
	_ =	sdelay $0x1  }
0x292: {  	s25 =	simm.s32 $0x1400  }
0x293: {  	[tilespmem:s25], [sflag:$0x3] =	stream.indirect_vreg.gather [hbm4b:s1+s5], $0x80, v4, vm0, $0xb8;
	[tilespmem:$0x10400] =	vst v63  }
0x294: {  	s26 =	simm.s32 $0x1C00  }
0x295: {  	[tilespmem:s26], [sflag:$0x3] =	stream.indirect_vreg.gather [hbm4b:s1+s5], $0x80, v3, vm0, $0xb8;
	[tilespmem:$0x10400] =	vst v63  }
0x296: {  	v3 =	vld [tilespmem:$0x320];
	_ =	sdelay $0x4  }
0x297: {  	v58 =	vshll.u32 v3, $0x1  }
0x298: {  	v3 =	vand.u32 $0x7, v3;
	v4 =	vand.u32 $0xFFFFFFF0, v58  }
0x299: {  	v3 =	vor.u32 v3, v4  }
0x29a: {  	v4 =	vperm.xlane v3, v0;
	_ =	sdelay $0x1  }
0x29b: {  	v3 =	vperm.xlane v3, v2;
	v4 =	vadd.s32 v1, v4;
	_ =	sdelay $0x1  }
0x29c: {  	v3 =	vadd.s32 v1, v3;
	_ =	sdelay $0x1  }
0x29d: {  	s29 =	simm.s32 $0x2400  }
0x29e: {  	[tilespmem:s29], [sflag:$0x3] =	stream.indirect_vreg.gather [hbm4b:s1+s5], $0x80, v4, vm0, $0xb8;
	[tilespmem:$0x10400] =	vst v63  }
0x29f: {  	s3 =	simm.s32 $0x2C00  }
0x2a0: {  	[tilespmem:s3], [sflag:$0x3] =	stream.indirect_vreg.gather [hbm4b:s1+s5], $0x80, v3, vm0, $0xb8;
	[tilespmem:$0x10400] =	vst v63  }
0x2a1: {  	v3 =	vld [tilespmem:$0x330];
	_ =	sdelay $0x4  }
0x2a2: {  	v59 =	vshll.u32 v3, $0x1  }
0x2a3: {  	v3 =	vand.u32 $0x7, v3;
	v4 =	vand.u32 $0xFFFFFFF0, v59  }
0x2a4: {  	v3 =	vor.u32 v3, v4  }
0x2a5: {  	v4 =	vperm.xlane v3, v0;
	_ =	sdelay $0x1  }
0x2a6: {  	v3 =	vperm.xlane v3, v2;
	v4 =	vadd.s32 v1, v4;
	_ =	sdelay $0x1  }
0x2a7: {  	v3 =	vadd.s32 v1, v3;
	_ =	sdelay $0x1  }
0x2a8: {  	s6 =	simm.s32 $0x3400  }
0x2a9: {  	[tilespmem:s6], [sflag:$0x3] =	stream.indirect_vreg.gather [hbm4b:s1+s5], $0x80, v4, vm0, $0xb8;
	[tilespmem:$0x10400] =	vst v63  }
0x2aa: {  	s13 =	simm.s32 $0x3C00  }
0x2ab: {  	[tilespmem:s13], [sflag:$0x3] =	stream.indirect_vreg.gather [hbm4b:s1+s5], $0x80, v3, vm0, $0xb8;
	[tilespmem:$0x10400] =	vst v63  }
0x2ac: {  	v3 =	vld [tilespmem:$0x340];
	_ =	sdelay $0x4  }
0x2ad: {  	v60 =	vshll.u32 v3, $0x1  }
0x2ae: {  	v3 =	vand.u32 $0x7, v3;
	v4 =	vand.u32 $0xFFFFFFF0, v60  }
0x2af: {  	v3 =	vor.u32 v3, v4  }
0x2b0: {  	v4 =	vperm.xlane v3, v0;
	_ =	sdelay $0x1  }
0x2b1: {  	v3 =	vperm.xlane v3, v2;
	v4 =	vadd.s32 v1, v4;
	_ =	sdelay $0x1  }
0x2b2: {  	v3 =	vadd.s32 v1, v3;
	_ =	sdelay $0x1  }
0x2b3: {  	s16 =	simm.s32 $0x4400  }
0x2b4: {  	[tilespmem:s16], [sflag:$0x3] =	stream.indirect_vreg.gather [hbm4b:s1+s5], $0x80, v4, vm0, $0xb8;
	[tilespmem:$0x10400] =	vst v63  }
0x2b5: {  	s17 =	simm.s32 $0x4C00  }
0x2b6: {  	[tilespmem:s17], [sflag:$0x3] =	stream.indirect_vreg.gather [hbm4b:s1+s5], $0x80, v3, vm0, $0xb8;
	[tilespmem:$0x10400] =	vst v63  }
0x2b7: {  	v3 =	vld [tilespmem:$0x350];
	_ =	sdelay $0x4  }
0x2b8: {  	v61 =	vshll.u32 v3, $0x1  }
0x2b9: {  	v3 =	vand.u32 $0x7, v3;
	v4 =	vand.u32 $0xFFFFFFF0, v61  }
0x2ba: {  	v3 =	vor.u32 v3, v4  }
0x2bb: {  	v4 =	vperm.xlane v3, v0;
	_ =	sdelay $0x1  }
0x2bc: {  	v3 =	vperm.xlane v3, v2;
	v4 =	vadd.s32 v1, v4;
	_ =	sdelay $0x1  }
0x2bd: {  	v3 =	vadd.s32 v1, v3;
	_ =	sdelay $0x1  }
0x2be: {  	s18 =	simm.s32 $0x5400  }
0x2bf: {  	[tilespmem:s18], [sflag:$0x3] =	stream.indirect_vreg.gather [hbm4b:s1+s5], $0x80, v4, vm0, $0xb8;
	[tilespmem:$0x10400] =	vst v63  }
0x2c0: {  	s19 =	simm.s32 $0x5C00  }
0x2c1: {  	[tilespmem:s19], [sflag:$0x3] =	stream.indirect_vreg.gather [hbm4b:s1+s5], $0x80, v3, vm0, $0xb8;
	[tilespmem:$0x10400] =	vst v63  }
0x2c2: {  	v3 =	vld [tilespmem:$0x360];
	_ =	sdelay $0x4  }
0x2c3: {  	v62 =	vshll.u32 v3, $0x1  }
0x2c4: {  	v3 =	vand.u32 $0x7, v3;
	v4 =	vand.u32 $0xFFFFFFF0, v62  }
0x2c5: {  	v3 =	vor.u32 v3, v4  }
0x2c6: {  	v4 =	vperm.xlane v3, v0;
	_ =	sdelay $0x1  }
0x2c7: {  	v3 =	vperm.xlane v3, v2;
	v4 =	vadd.s32 v1, v4;
	_ =	sdelay $0x1  }
0x2c8: {  	v3 =	vadd.s32 v1, v3;
	_ =	sdelay $0x1  }
0x2c9: {  	s20 =	simm.s32 $0x6400  }
0x2ca: {  	[tilespmem:s20], [sflag:$0x3] =	stream.indirect_vreg.gather [hbm4b:s1+s5], $0x80, v4, vm0, $0xb8;
	[tilespmem:$0x10400] =	vst v63  }
0x2cb: {  	s21 =	simm.s32 $0x6C00  }
0x2cc: {  	[tilespmem:s21], [sflag:$0x3] =	stream.indirect_vreg.gather [hbm4b:s1+s5], $0x80, v3, vm0, $0xb8;
	[tilespmem:$0x10400] =	vst v63  }
0x2cd: {  	v3 =	vld [tilespmem:$0x370];
	_ =	sdelay $0x4  }
0x2ce: {  	v63 =	vshll.u32 v3, $0x1  }
0x2cf: {  	v3 =	vand.u32 $0x7, v3;
	v4 =	vand.u32 $0xFFFFFFF0, v63  }
0x2d0: {  	v3 =	vor.u32 v3, v4  }
0x2d1: {  	v4 =	vperm.xlane v3, v0;
	_ =	sdelay $0x1  }
0x2d2: {  	v3 =	vperm.xlane v3, v2;
	v4 =	vadd.s32 v1, v4;
	_ =	sdelay $0x1  }
0x2d3: {  	v3 =	vadd.s32 v1, v3;
	_ =	sdelay $0x1  }
0x2d4: {  	s22 =	simm.s32 $0x7400  }
0x2d5: {  	[tilespmem:s22], [sflag:$0x3] =	stream.indirect_vreg.gather [hbm4b:s1+s5], $0x80, v4, vm0, $0xb8;
	[tilespmem:$0x10400] =	vst v63  }
0x2d6: {  	s23 =	simm.s32 $0x7C00  }
0x2d7: {  	[tilespmem:s23], [sflag:$0x3] =	stream.indirect_vreg.gather [hbm4b:s1+s5], $0x80, v3, vm0, $0xb8;
	[tilespmem:$0x10400] =	vst v63  }
0x2d8: {  	_ =	swait.ge [sflag:s11], $0x8000  }
0x2d9: {  	[sflag:s11] =	ssyncset.done $0x0  }
0x2da: {  	s24 =	rddreg [dreg:$0x18];
	[sflag:s11] =	ssyncadd.s32 $0xFFFF8000  }
0x2db: {  	[hbm4b:s24+s5] =	stream.linear.scatter [tilespmem:s9], [sflag:$0x6], $0x8000, $0x38;
	[tilespmem:$0x10400] =	vst v63  }
0x2dc: {  	_ =	swait.ge [sflag:s10], $0x8000  }
0x2dd: {  	[sflag:s10] =	ssyncset.done $0x0  }
0x2de: {  	s25 =	rddreg [dreg:$0x12];
	[sflag:s10] =	ssyncadd.s32 $0xFFFF8000  }
0x2df: {  	[hbm4b:s25+s5] =	stream.linear.scatter [tilespmem:s2], [sflag:$0x5], $0x8000, $0x38;
	[tilespmem:$0x10400] =	vst v63  }
0x2e0: {  	_ =	swait.ge [sflag:s31], $0x8000  }
0x2e1: {  	[sflag:s31] =	ssyncset.done $0x0  }
0x2e2: {  	[sflag:s31] =	ssyncadd.s32 $0xFFFF8000  }
0x2e3: {  	_ =	swait.ge [sflag:s8], $0x80  }
0x2e4: {  	[sflag:s8] =	ssyncset.done $0x0  }
0x2e5: {  	[sflag:s8] =	ssyncadd.s32 $0xFFFFFF80  }
0x2e6: {  	_ =	swait.ge [sflag:s8], $0x80  }
0x2e7: {  	[sflag:s8] =	ssyncset.done $0x0  }
0x2e8: {  	[sflag:s8] =	ssyncadd.s32 $0xFFFFFF80  }
0x2e9: {  	_ =	swait.ge [sflag:s8], $0x80  }
0x2ea: {  	[sflag:s8] =	ssyncset.done $0x0  }
0x2eb: {  	[sflag:s8] =	ssyncadd.s32 $0xFFFFFF80  }
0x2ec: {  	_ =	swait.ge [sflag:s4], $0x8000  }
0x2ed: {  	[sflag:s4] =	ssyncset.done $0x0  }
0x2ee: {  	[sflag:s4] =	ssyncadd.s32 $0xFFFF8000  }
0x2ef: {  	_ =	swait.ge [sflag:s28], $0x80  }
0x2f0: {  	[sflag:s28] =	ssyncset.done $0x0  }
0x2f1: {  	[sflag:s28] =	ssyncadd.s32 $0xFFFFFF80  }
0x2f2: {  	_ =	swait.ge [sflag:s28], $0x80  }
0x2f3: {  	[sflag:s28] =	ssyncset.done $0x0  }
0x2f4: {  	[sflag:s28] =	ssyncadd.s32 $0xFFFFFF80  }
0x2f5: {  	_ =	swait.ge [sflag:s28], $0x80  }
0x2f6: {  	s26 =	rddreg [dreg:$0x1a]  }
0x2f7: {  	s29 =	rddreg [dreg:$0x15];
	s2 =	sadd.s32 $0x1, s26  }
0x2f8: {  	s3 =	simm.s32 $0xEC00;
	p0 =	sne.s32 s2, s29  }
.Ltmp1:
0x2f9: {  	s6 =	simm.s32 $0xF400;
	s13 =	simm.s32 $0x8C00;
	(pc) =	sbr.rel @p0 .LBB2_1-.Ltmp1, $4  }
0x2fa: {  	s16 =	simm.s32 $0x9400;
	s17 =	simm.s32 $0x9C00;
	s18 =	simm.s32 $0xA400  }
0x2fb: {  	s19 =	simm.s32 $0xAC00;
	s20 =	simm.s32 $0xB400;
	s21 =	simm.s32 $0xBC00  }
0x2fc: {  	s22 =	simm.s32 $0xC400;
	s23 =	simm.s32 $0xCC00;
	[sflag:s28] =	ssyncset.done $0x0  }
0x2fd: {  	s24 =	simm.s32 $0xD400;
	s25 =	simm.s32 $0xFC00;
	[sflag:s28] =	ssyncadd.s32 $0xFFFFFF80  }
0x2fe: {  	_ =	sfence.sel $0x180000  }
0x2ff: {  	[bflag:$0x0] =	sbarrier.arrive $0xFFFF  }
0x300: {  	_ =	strace $0x90000047  }
0x301: {  	s0 =	stileid.u32;
	[bflag:$0x2] =	sbarrier.arrive $0xFFFF  }
0x302: {  	p0 =	sne.s32 s0, $0x0;
	s0 =	rddreg [dreg:$0x4]  }
0x303: {  	s0 =	sadd.s32 @!p0 $0x100000, s0  }
0x304: {  	[sflag:s0] =	ssyncadd.tile.s32 @!p0 $0x1;
	_ =	shalt  }
.Lfunc_end2:
_tile_overlayer_lowered:
.L_overlay_start_2:
0x305: {  	(tag) =	ssettag $0x2  }
0x306: {  	s0 =	rddreg [dreg:$0x0];
	s2 =	stileid.u32  }
0x307: {  	s1 =	rddreg [dreg:$0x1];
	p0 =	sne.s32 s2, $0x0  }
0x308: {  	s3 =	rddreg [dreg:$0x2];
	[bflag:$0x3] =	sbarrier.arrive $0xFFFF;
	s2 =	simm.s32 @!p0 $0x1C07  }
0x309: {  	[timem:s3], [sflag:s2] =	dma.local @!p0 [hbm:s0], s1  }
0x30a: {  	s0 =	simm.s32 @!p0 $0x7  }
0x30b: {  	_ =	swait.ge @!p0 [sflag:s0], s1  }
0x30c: {  	s1 =	ssub.s32 @!p0 $0x0, s1;
	[sflag:s0] =	ssyncset.done @!p0 $0x0  }
0x30d: {  	[sflag:s0] =	ssyncadd.s32 @!p0 s1  }
0x30e: {  	[bflag:$0x3] =	sbarrier.arrive $0xFFFF  }
0x30f: {  	_ =	shalt  }

</sc_bundles>
